<compile_context>
chip_gen: v7x
topology: tpu7x:2x2x1
jax: 0.10.2.dev20260603
libtpu: 0.0.44.dev20260713+nightly
codegen_flags: <defaults>
</compile_context>

<pallas_src>
import functools

import jax
import jax.numpy as jnp
from jax import lax
from jax.experimental import pallas as pl
from jax.experimental.pallas import tpu as pltpu
from jax.experimental.pallas import tpu_sc as plsc

B = 4096
S = 50
P = 20
T = P + S
D = 128

_info = plsc.get_sparse_core_info()
NC, NS = _info.num_cores, _info.num_subcores
NW = NC * NS
RW = B // NW
NBUF = 5
G = 16


def _make_kernel():
    mesh = plsc.VectorSubcoreMesh(core_axis_name="c", subcore_axis_name="s")

    @functools.partial(
        pl.kernel,
        mesh=mesh,
        compiler_params=pltpu.CompilerParams(use_tc_tiling_on_sc=True),
        out_type=jax.ShapeDtypeStruct((T, B, D), jnp.float32),
        scratch_types=[
            pltpu.VMEM((S, RW), jnp.int32),
            pltpu.VMEM((P, G, D), jnp.float32),
            *([pltpu.VMEM((RW, D), jnp.float32)] * 5),
            *([pltpu.SemaphoreType.DMA] * 11),
        ],
    )
    def k(ids_hbm, table_hbm, prompt_hbm, out_hbm,
          idx_v, pbuf, b0, b1, b2, b3, b4,
          g0, g1, g2, g3, g4, w0, w1, w2, w3, w4, psem):
        bufs = (b0, b1, b2, b3, b4)
        gsems = (g0, g1, g2, g3, g4)
        wsems = (w0, w1, w2, w3, w4)
        wid = lax.axis_index("s") * NC + lax.axis_index("c")
        base = wid * RW

        pltpu.sync_copy(ids_hbm.at[:, pl.ds(base, RW)], idx_v)

        for j in range(G):
            pltpu.async_copy(prompt_hbm, pbuf.at[:, pl.ds(j, 1)], psem)
        for j in range(G):
            pltpu.make_async_copy(
                prompt_hbm, pbuf.at[:, pl.ds(0, 1)], psem).wait()
        for g in range(RW // G):
            pltpu.async_copy(
                pbuf, out_hbm.at[pl.ds(0, P), pl.ds(base + g * G, G)], psem)

        def drain_gather(s):
            pltpu.make_async_copy(
                table_hbm.at[pl.ds(0, RW)], bufs[s], gsems[s]).wait()

        def fire_write(t, s):
            pltpu.async_copy(
                bufs[s], out_hbm.at[t, pl.ds(base, RW)], wsems[s])

        def drain_write(s):
            pltpu.make_async_copy(
                bufs[s], out_hbm.at[0, pl.ds(0, RW)], wsems[s]).wait()

        def fire_gather(t, s):
            pltpu.async_copy(
                table_hbm.at[idx_v.at[t - P]], bufs[s], gsems[s])

        for s in range(NBUF):
            fire_gather(P + s, s)

        def outer(c, carry):
            tt = P + c * NBUF
            for s in range(NBUF):
                drain_gather(s)
                fire_write(tt + s, s)
            for s in range(NBUF):
                drain_write(s)
                fire_gather(tt + NBUF + s, s)
            return carry

        lax.fori_loop(0, S // NBUF - 1, outer, 0)

        for s in range(NBUF):
            drain_gather(s)
            fire_write(T - NBUF + s, s)
        for s in range(NBUF):
            drain_write(s)

        for g in range(RW // G):
            pltpu.make_async_copy(
                pbuf, out_hbm.at[pl.ds(0, P), pl.ds(0, G)], psem).wait()

    return k


_kernel = _make_kernel()


def kernel(input_ids, embed_table, prompt_weight):
    ids_t = input_ids.astype(jnp.int32).T
    out = _kernel(ids_t, embed_table, prompt_weight.reshape(P, 1, D))
    return out.transpose(1, 0, 2)

# --- scband reference (transcript-rebuilt; emitter-appended) ---
"""Pipeline reference for scband-prompt-tuner-18262200943064 (READ-ONLY COPY).

The authoritative reference and input builder live on the scoring server;
editing this copy changes nothing except your own understanding.
"""

import jax, jax.numpy as jnp
import numpy as np

NUM_PROMPT_TOKENS = 20


def setup_inputs(seed: int = 0) -> dict:
    key = jax.random.key(seed)
    k1, k2, k3 = jax.random.split(key, 3)
    input_ids = jax.random.randint(k1, (4096, 50), 0, 100000, dtype=jnp.int64)
    embed_table = jax.random.normal(k2, (100000, 128), dtype=jnp.float32)
    prompt_weight = jax.random.normal(k3, (20, 128), dtype=jnp.float32) * 0.02
    return {"input_ids": input_ids, "embed_table": embed_table, "prompt_weight": prompt_weight}


def reference(input_ids, embed_table, prompt_weight):
    batch_size = input_ids.shape[0]
    # inputs_embed = embedding_layer(input_ids)
    inputs_embed = jnp.take(embed_table, input_ids, axis=0)
    # prompt_ids = arange(num_prompt_tokens), expanded to batch
    prompt_ids = jnp.arange(NUM_PROMPT_TOKENS)
    prompt_ids = jnp.broadcast_to(prompt_ids[None, :], (batch_size, NUM_PROMPT_TOKENS))
    prompt_embed = jnp.take(prompt_weight, prompt_ids, axis=0)
    combined = jnp.concatenate([prompt_embed, inputs_embed], axis=1)
    return combined

if __name__ == "__main__":
    import jax
    _d = setup_inputs()
    print(jax.jit(kernel)(*tuple(_d.values())))

</pallas_src>

<mosaic_0001>
#map = affine_map<(d0, d1) -> (0, 0)>
#map1 = affine_map<(d0, d1) -> (0, 0, 0)>
module attributes {stable_mosaic.version = 14 : i64} {
  func.func @k(%arg0: i32, %arg1: i32, %arg2: memref<50x4096xi32, #tpu.memory_space<hbm>>, %arg3: memref<100000x128xf32, #tpu.memory_space<hbm>>, %arg4: memref<20x1x128xf32, #tpu.memory_space<hbm>>, %arg5: memref<70x4096x128xf32, #tpu.memory_space<hbm>>, %arg6: memref<50x128xi32, #tpu.memory_space<vmem>>, %arg7: memref<20x16x128xf32, #tpu.memory_space<vmem>>, %arg8: memref<128x128xf32, #tpu.memory_space<vmem>>, %arg9: memref<128x128xf32, #tpu.memory_space<vmem>>, %arg10: memref<128x128xf32, #tpu.memory_space<vmem>>, %arg11: memref<128x128xf32, #tpu.memory_space<vmem>>, %arg12: memref<128x128xf32, #tpu.memory_space<vmem>>, %arg13: memref<!tpu.dma_semaphore, #tpu.memory_space<semaphore_mem>>, %arg14: memref<!tpu.dma_semaphore, #tpu.memory_space<semaphore_mem>>, %arg15: memref<!tpu.dma_semaphore, #tpu.memory_space<semaphore_mem>>, %arg16: memref<!tpu.dma_semaphore, #tpu.memory_space<semaphore_mem>>, %arg17: memref<!tpu.dma_semaphore, #tpu.memory_space<semaphore_mem>>, %arg18: memref<!tpu.dma_semaphore, #tpu.memory_space<semaphore_mem>>, %arg19: memref<!tpu.dma_semaphore, #tpu.memory_space<semaphore_mem>>, %arg20: memref<!tpu.dma_semaphore, #tpu.memory_space<semaphore_mem>>, %arg21: memref<!tpu.dma_semaphore, #tpu.memory_space<semaphore_mem>>, %arg22: memref<!tpu.dma_semaphore, #tpu.memory_space<semaphore_mem>>, %arg23: memref<!tpu.dma_semaphore, #tpu.memory_space<semaphore_mem>>) attributes {dimension_semantics = [#tpu.dimension_semantics<core_parallel>, #tpu.dimension_semantics<subcore_parallel>], iteration_bounds = array<i64: 2, 16>, scalar_prefetch = 0 : i64, scratch_operands = 18 : i64, tpu.core_type = #tpu.core_type<sc_vector_subcore>, window_params = [{transform_indices = #map}, {transform_indices = #map}, {transform_indices = #map1}, {transform_indices = #map1}]} {
    %mul3A = arith.constant 2 : i32
    %mul3A_0 = arith.muli %arg1, %mul3A : i32
    %add3A = arith.addi %mul3A_0, %arg0 : i32
    %mul3A_1 = arith.constant 128 : i32
    %mul3A_2 = arith.muli %add3A, %mul3A_1 : i32
    "tpu.region"() ({
      %run_scoped3A = tpu.sem_alloc : memref<!tpu.dma_semaphore, #tpu.memory_space<semaphore_mem>>
      %dma_start3A_535 = arith.constant 0 : i32
      %dma_start3A_536 = tpu.memref_slice %arg2[%dma_start3A_535, %mul3A_2] : memref<50x4096xi32, #tpu.memory_space<hbm>> -> memref<50x128xi32, #tpu.memory_space<hbm>>
      %dma_start3A_537 = arith.constant 0 : i32
      %dma_start3A_538 = tpu.memref_slice %arg2[%dma_start3A_537, %mul3A_2] : memref<50x4096xi32, #tpu.memory_space<hbm>> -> memref<50x128xi32, #tpu.memory_space<hbm>>
      tpu.enqueue_dma source(%dma_start3A_538 : memref<50x128xi32, #tpu.memory_space<hbm>>) target(%arg6 : memref<50x128xi32, #tpu.memory_space<vmem>>) target_semaphore(%run_scoped3A : memref<!tpu.dma_semaphore, #tpu.memory_space<semaphore_mem>>)
      %dma_wait3A_539 = arith.constant 0 : i32
      %dma_wait3A_540 = tpu.memref_slice %arg2[%dma_wait3A_539, %mul3A_2] : memref<50x4096xi32, #tpu.memory_space<hbm>> -> memref<50x128xi32, #tpu.memory_space<hbm>>
      %dma_wait3A_541 = arith.constant 0 : i32
      %dma_wait3A_542 = tpu.memref_slice %arg2[%dma_wait3A_541, %mul3A_2] : memref<50x4096xi32, #tpu.memory_space<hbm>> -> memref<50x128xi32, #tpu.memory_space<hbm>>
      tpu.wait_dma2 semaphore(%run_scoped3A : memref<!tpu.dma_semaphore, #tpu.memory_space<semaphore_mem>>) src(%dma_wait3A_542 : memref<50x128xi32, #tpu.memory_space<hbm>>) dst(%arg6 : memref<50x128xi32, #tpu.memory_space<vmem>>)
      tpu.yield
    }) : () -> ()
    %dma_start3A = arith.constant 0 : i32
    %dma_start3A_3 = arith.constant 0 : i32
    %dma_start3A_4 = arith.constant 0 : i32
    %dma_start3A_5 = tpu.memref_slice %arg7[%dma_start3A, %dma_start3A_3, %dma_start3A_4] : memref<20x16x128xf32, #tpu.memory_space<vmem>> -> memref<20x1x128xf32, #tpu.memory_space<vmem>>
    %dma_start3A_6 = arith.constant 0 : i32
    %dma_start3A_7 = arith.constant 0 : i32
    %dma_start3A_8 = arith.constant 0 : i32
    %dma_start3A_9 = tpu.memref_slice %arg7[%dma_start3A_6, %dma_start3A_7, %dma_start3A_8] : memref<20x16x128xf32, #tpu.memory_space<vmem>> -> memref<20x1x128xf32, #tpu.memory_space<vmem>>
    tpu.enqueue_dma source(%arg4 : memref<20x1x128xf32, #tpu.memory_space<hbm>>) target(%dma_start3A_9 : memref<20x1x128xf32, #tpu.memory_space<vmem>>) target_semaphore(%arg23 : memref<!tpu.dma_semaphore, #tpu.memory_space<semaphore_mem>>)
    %dma_start3A_10 = arith.constant 0 : i32
    %dma_start3A_11 = arith.constant 1 : i32
    %dma_start3A_12 = arith.constant 0 : i32
    %dma_start3A_13 = tpu.memref_slice %arg7[%dma_start3A_10, %dma_start3A_11, %dma_start3A_12] : memref<20x16x128xf32, #tpu.memory_space<vmem>> -> memref<20x1x128xf32, #tpu.memory_space<vmem>>
    %dma_start3A_14 = arith.constant 0 : i32
    %dma_start3A_15 = arith.constant 1 : i32
    %dma_start3A_16 = arith.constant 0 : i32
    %dma_start3A_17 = tpu.memref_slice %arg7[%dma_start3A_14, %dma_start3A_15, %dma_start3A_16] : memref<20x16x128xf32, #tpu.memory_space<vmem>> -> memref<20x1x128xf32, #tpu.memory_space<vmem>>
    tpu.enqueue_dma source(%arg4 : memref<20x1x128xf32, #tpu.memory_space<hbm>>) target(%dma_start3A_17 : memref<20x1x128xf32, #tpu.memory_space<vmem>>) target_semaphore(%arg23 : memref<!tpu.dma_semaphore, #tpu.memory_space<semaphore_mem>>)
    %dma_start3A_18 = arith.constant 0 : i32
    %dma_start3A_19 = arith.constant 2 : i32
    %dma_start3A_20 = arith.constant 0 : i32
    %dma_start3A_21 = tpu.memref_slice %arg7[%dma_start3A_18, %dma_start3A_19, %dma_start3A_20] : memref<20x16x128xf32, #tpu.memory_space<vmem>> -> memref<20x1x128xf32, #tpu.memory_space<vmem>>
    %dma_start3A_22 = arith.constant 0 : i32
    %dma_start3A_23 = arith.constant 2 : i32
    %dma_start3A_24 = arith.constant 0 : i32
    %dma_start3A_25 = tpu.memref_slice %arg7[%dma_start3A_22, %dma_start3A_23, %dma_start3A_24] : memref<20x16x128xf32, #tpu.memory_space<vmem>> -> memref<20x1x128xf32, #tpu.memory_space<vmem>>
    tpu.enqueue_dma source(%arg4 : memref<20x1x128xf32, #tpu.memory_space<hbm>>) target(%dma_start3A_25 : memref<20x1x128xf32, #tpu.memory_space<vmem>>) target_semaphore(%arg23 : memref<!tpu.dma_semaphore, #tpu.memory_space<semaphore_mem>>)
    %dma_start3A_26 = arith.constant 0 : i32
    %dma_start3A_27 = arith.constant 3 : i32
    %dma_start3A_28 = arith.constant 0 : i32
    %dma_start3A_29 = tpu.memref_slice %arg7[%dma_start3A_26, %dma_start3A_27, %dma_start3A_28] : memref<20x16x128xf32, #tpu.memory_space<vmem>> -> memref<20x1x128xf32, #tpu.memory_space<vmem>>
    %dma_start3A_30 = arith.constant 0 : i32
    %dma_start3A_31 = arith.constant 3 : i32
    %dma_start3A_32 = arith.constant 0 : i32
    %dma_start3A_33 = tpu.memref_slice %arg7[%dma_start3A_30, %dma_start3A_31, %dma_start3A_32] : memref<20x16x128xf32, #tpu.memory_space<vmem>> -> memref<20x1x128xf32, #tpu.memory_space<vmem>>
    tpu.enqueue_dma source(%arg4 : memref<20x1x128xf32, #tpu.memory_space<hbm>>) target(%dma_start3A_33 : memref<20x1x128xf32, #tpu.memory_space<vmem>>) target_semaphore(%arg23 : memref<!tpu.dma_semaphore, #tpu.memory_space<semaphore_mem>>)
    %dma_start3A_34 = arith.constant 0 : i32
    %dma_start3A_35 = arith.constant 4 : i32
    %dma_start3A_36 = arith.constant 0 : i32
    %dma_start3A_37 = tpu.memref_slice %arg7[%dma_start3A_34, %dma_start3A_35, %dma_start3A_36] : memref<20x16x128xf32, #tpu.memory_space<vmem>> -> memref<20x1x128xf32, #tpu.memory_space<vmem>>
    %dma_start3A_38 = arith.constant 0 : i32
    %dma_start3A_39 = arith.constant 4 : i32
    %dma_start3A_40 = arith.constant 0 : i32
    %dma_start3A_41 = tpu.memref_slice %arg7[%dma_start3A_38, %dma_start3A_39, %dma_start3A_40] : memref<20x16x128xf32, #tpu.memory_space<vmem>> -> memref<20x1x128xf32, #tpu.memory_space<vmem>>
    tpu.enqueue_dma source(%arg4 : memref<20x1x128xf32, #tpu.memory_space<hbm>>) target(%dma_start3A_41 : memref<20x1x128xf32, #tpu.memory_space<vmem>>) target_semaphore(%arg23 : memref<!tpu.dma_semaphore, #tpu.memory_space<semaphore_mem>>)
    %dma_start3A_42 = arith.constant 0 : i32
    %dma_start3A_43 = arith.constant 5 : i32
    %dma_start3A_44 = arith.constant 0 : i32
    %dma_start3A_45 = tpu.memref_slice %arg7[%dma_start3A_42, %dma_start3A_43, %dma_start3A_44] : memref<20x16x128xf32, #tpu.memory_space<vmem>> -> memref<20x1x128xf32, #tpu.memory_space<vmem>>
    %dma_start3A_46 = arith.constant 0 : i32
    %dma_start3A_47 = arith.constant 5 : i32
    %dma_start3A_48 = arith.constant 0 : i32
    %dma_start3A_49 = tpu.memref_slice %arg7[%dma_start3A_46, %dma_start3A_47, %dma_start3A_48] : memref<20x16x128xf32, #tpu.memory_space<vmem>> -> memref<20x1x128xf32, #tpu.memory_space<vmem>>
    tpu.enqueue_dma source(%arg4 : memref<20x1x128xf32, #tpu.memory_space<hbm>>) target(%dma_start3A_49 : memref<20x1x128xf32, #tpu.memory_space<vmem>>) target_semaphore(%arg23 : memref<!tpu.dma_semaphore, #tpu.memory_space<semaphore_mem>>)
    %dma_start3A_50 = arith.constant 0 : i32
    %dma_start3A_51 = arith.constant 6 : i32
    %dma_start3A_52 = arith.constant 0 : i32
    %dma_start3A_53 = tpu.memref_slice %arg7[%dma_start3A_50, %dma_start3A_51, %dma_start3A_52] : memref<20x16x128xf32, #tpu.memory_space<vmem>> -> memref<20x1x128xf32, #tpu.memory_space<vmem>>
    %dma_start3A_54 = arith.constant 0 : i32
    %dma_start3A_55 = arith.constant 6 : i32
    %dma_start3A_56 = arith.constant 0 : i32
    %dma_start3A_57 = tpu.memref_slice %arg7[%dma_start3A_54, %dma_start3A_55, %dma_start3A_56] : memref<20x16x128xf32, #tpu.memory_space<vmem>> -> memref<20x1x128xf32, #tpu.memory_space<vmem>>
    tpu.enqueue_dma source(%arg4 : memref<20x1x128xf32, #tpu.memory_space<hbm>>) target(%dma_start3A_57 : memref<20x1x128xf32, #tpu.memory_space<vmem>>) target_semaphore(%arg23 : memref<!tpu.dma_semaphore, #tpu.memory_space<semaphore_mem>>)
    %dma_start3A_58 = arith.constant 0 : i32
    %dma_start3A_59 = arith.constant 7 : i32
    %dma_start3A_60 = arith.constant 0 : i32
    %dma_start3A_61 = tpu.memref_slice %arg7[%dma_start3A_58, %dma_start3A_59, %dma_start3A_60] : memref<20x16x128xf32, #tpu.memory_space<vmem>> -> memref<20x1x128xf32, #tpu.memory_space<vmem>>
    %dma_start3A_62 = arith.constant 0 : i32
    %dma_start3A_63 = arith.constant 7 : i32
    %dma_start3A_64 = arith.constant 0 : i32
    %dma_start3A_65 = tpu.memref_slice %arg7[%dma_start3A_62, %dma_start3A_63, %dma_start3A_64] : memref<20x16x128xf32, #tpu.memory_space<vmem>> -> memref<20x1x128xf32, #tpu.memory_space<vmem>>
    tpu.enqueue_dma source(%arg4 : memref<20x1x128xf32, #tpu.memory_space<hbm>>) target(%dma_start3A_65 : memref<20x1x128xf32, #tpu.memory_space<vmem>>) target_semaphore(%arg23 : memref<!tpu.dma_semaphore, #tpu.memory_space<semaphore_mem>>)
    %dma_start3A_66 = arith.constant 0 : i32
    %dma_start3A_67 = arith.constant 8 : i32
    %dma_start3A_68 = arith.constant 0 : i32
    %dma_start3A_69 = tpu.memref_slice %arg7[%dma_start3A_66, %dma_start3A_67, %dma_start3A_68] : memref<20x16x128xf32, #tpu.memory_space<vmem>> -> memref<20x1x128xf32, #tpu.memory_space<vmem>>
    %dma_start3A_70 = arith.constant 0 : i32
    %dma_start3A_71 = arith.constant 8 : i32
    %dma_start3A_72 = arith.constant 0 : i32
    %dma_start3A_73 = tpu.memref_slice %arg7[%dma_start3A_70, %dma_start3A_71, %dma_start3A_72] : memref<20x16x128xf32, #tpu.memory_space<vmem>> -> memref<20x1x128xf32, #tpu.memory_space<vmem>>
    tpu.enqueue_dma source(%arg4 : memref<20x1x128xf32, #tpu.memory_space<hbm>>) target(%dma_start3A_73 : memref<20x1x128xf32, #tpu.memory_space<vmem>>) target_semaphore(%arg23 : memref<!tpu.dma_semaphore, #tpu.memory_space<semaphore_mem>>)
    %dma_start3A_74 = arith.constant 0 : i32
    %dma_start3A_75 = arith.constant 9 : i32
    %dma_start3A_76 = arith.constant 0 : i32
    %dma_start3A_77 = tpu.memref_slice %arg7[%dma_start3A_74, %dma_start3A_75, %dma_start3A_76] : memref<20x16x128xf32, #tpu.memory_space<vmem>> -> memref<20x1x128xf32, #tpu.memory_space<vmem>>
    %dma_start3A_78 = arith.constant 0 : i32
    %dma_start3A_79 = arith.constant 9 : i32
    %dma_start3A_80 = arith.constant 0 : i32
    %dma_start3A_81 = tpu.memref_slice %arg7[%dma_start3A_78, %dma_start3A_79, %dma_start3A_80] : memref<20x16x128xf32, #tpu.memory_space<vmem>> -> memref<20x1x128xf32, #tpu.memory_space<vmem>>
    tpu.enqueue_dma source(%arg4 : memref<20x1x128xf32, #tpu.memory_space<hbm>>) target(%dma_start3A_81 : memref<20x1x128xf32, #tpu.memory_space<vmem>>) target_semaphore(%arg23 : memref<!tpu.dma_semaphore, #tpu.memory_space<semaphore_mem>>)
    %dma_start3A_82 = arith.constant 0 : i32
    %dma_start3A_83 = arith.constant 10 : i32
    %dma_start3A_84 = arith.constant 0 : i32
    %dma_start3A_85 = tpu.memref_slice %arg7[%dma_start3A_82, %dma_start3A_83, %dma_start3A_84] : memref<20x16x128xf32, #tpu.memory_space<vmem>> -> memref<20x1x128xf32, #tpu.memory_space<vmem>>
    %dma_start3A_86 = arith.constant 0 : i32
    %dma_start3A_87 = arith.constant 10 : i32
    %dma_start3A_88 = arith.constant 0 : i32
    %dma_start3A_89 = tpu.memref_slice %arg7[%dma_start3A_86, %dma_start3A_87, %dma_start3A_88] : memref<20x16x128xf32, #tpu.memory_space<vmem>> -> memref<20x1x128xf32, #tpu.memory_space<vmem>>
    tpu.enqueue_dma source(%arg4 : memref<20x1x128xf32, #tpu.memory_space<hbm>>) target(%dma_start3A_89 : memref<20x1x128xf32, #tpu.memory_space<vmem>>) target_semaphore(%arg23 : memref<!tpu.dma_semaphore, #tpu.memory_space<semaphore_mem>>)
    %dma_start3A_90 = arith.constant 0 : i32
    %dma_start3A_91 = arith.constant 11 : i32
    %dma_start3A_92 = arith.constant 0 : i32
    %dma_start3A_93 = tpu.memref_slice %arg7[%dma_start3A_90, %dma_start3A_91, %dma_start3A_92] : memref<20x16x128xf32, #tpu.memory_space<vmem>> -> memref<20x1x128xf32, #tpu.memory_space<vmem>>
    %dma_start3A_94 = arith.constant 0 : i32
    %dma_start3A_95 = arith.constant 11 : i32
    %dma_start3A_96 = arith.constant 0 : i32
    %dma_start3A_97 = tpu.memref_slice %arg7[%dma_start3A_94, %dma_start3A_95, %dma_start3A_96] : memref<20x16x128xf32, #tpu.memory_space<vmem>> -> memref<20x1x128xf32, #tpu.memory_space<vmem>>
    tpu.enqueue_dma source(%arg4 : memref<20x1x128xf32, #tpu.memory_space<hbm>>) target(%dma_start3A_97 : memref<20x1x128xf32, #tpu.memory_space<vmem>>) target_semaphore(%arg23 : memref<!tpu.dma_semaphore, #tpu.memory_space<semaphore_mem>>)
    %dma_start3A_98 = arith.constant 0 : i32
    %dma_start3A_99 = arith.constant 12 : i32
    %dma_start3A_100 = arith.constant 0 : i32
    %dma_start3A_101 = tpu.memref_slice %arg7[%dma_start3A_98, %dma_start3A_99, %dma_start3A_100] : memref<20x16x128xf32, #tpu.memory_space<vmem>> -> memref<20x1x128xf32, #tpu.memory_space<vmem>>
    %dma_start3A_102 = arith.constant 0 : i32
    %dma_start3A_103 = arith.constant 12 : i32
    %dma_start3A_104 = arith.constant 0 : i32
    %dma_start3A_105 = tpu.memref_slice %arg7[%dma_start3A_102, %dma_start3A_103, %dma_start3A_104] : memref<20x16x128xf32, #tpu.memory_space<vmem>> -> memref<20x1x128xf32, #tpu.memory_space<vmem>>
    tpu.enqueue_dma source(%arg4 : memref<20x1x128xf32, #tpu.memory_space<hbm>>) target(%dma_start3A_105 : memref<20x1x128xf32, #tpu.memory_space<vmem>>) target_semaphore(%arg23 : memref<!tpu.dma_semaphore, #tpu.memory_space<semaphore_mem>>)
    %dma_start3A_106 = arith.constant 0 : i32
    %dma_start3A_107 = arith.constant 13 : i32
    %dma_start3A_108 = arith.constant 0 : i32
    %dma_start3A_109 = tpu.memref_slice %arg7[%dma_start3A_106, %dma_start3A_107, %dma_start3A_108] : memref<20x16x128xf32, #tpu.memory_space<vmem>> -> memref<20x1x128xf32, #tpu.memory_space<vmem>>
    %dma_start3A_110 = arith.constant 0 : i32
    %dma_start3A_111 = arith.constant 13 : i32
    %dma_start3A_112 = arith.constant 0 : i32
    %dma_start3A_113 = tpu.memref_slice %arg7[%dma_start3A_110, %dma_start3A_111, %dma_start3A_112] : memref<20x16x128xf32, #tpu.memory_space<vmem>> -> memref<20x1x128xf32, #tpu.memory_space<vmem>>
    tpu.enqueue_dma source(%arg4 : memref<20x1x128xf32, #tpu.memory_space<hbm>>) target(%dma_start3A_113 : memref<20x1x128xf32, #tpu.memory_space<vmem>>) target_semaphore(%arg23 : memref<!tpu.dma_semaphore, #tpu.memory_space<semaphore_mem>>)
    %dma_start3A_114 = arith.constant 0 : i32
    %dma_start3A_115 = arith.constant 14 : i32
    %dma_start3A_116 = arith.constant 0 : i32
    %dma_start3A_117 = tpu.memref_slice %arg7[%dma_start3A_114, %dma_start3A_115, %dma_start3A_116] : memref<20x16x128xf32, #tpu.memory_space<vmem>> -> memref<20x1x128xf32, #tpu.memory_space<vmem>>
    %dma_start3A_118 = arith.constant 0 : i32
    %dma_start3A_119 = arith.constant 14 : i32
    %dma_start3A_120 = arith.constant 0 : i32
    %dma_start3A_121 = tpu.memref_slice %arg7[%dma_start3A_118, %dma_start3A_119, %dma_start3A_120] : memref<20x16x128xf32, #tpu.memory_space<vmem>> -> memref<20x1x128xf32, #tpu.memory_space<vmem>>
    tpu.enqueue_dma source(%arg4 : memref<20x1x128xf32, #tpu.memory_space<hbm>>) target(%dma_start3A_121 : memref<20x1x128xf32, #tpu.memory_space<vmem>>) target_semaphore(%arg23 : memref<!tpu.dma_semaphore, #tpu.memory_space<semaphore_mem>>)
    %dma_start3A_122 = arith.constant 0 : i32
    %dma_start3A_123 = arith.constant 15 : i32
    %dma_start3A_124 = arith.constant 0 : i32
    %dma_start3A_125 = tpu.memref_slice %arg7[%dma_start3A_122, %dma_start3A_123, %dma_start3A_124] : memref<20x16x128xf32, #tpu.memory_space<vmem>> -> memref<20x1x128xf32, #tpu.memory_space<vmem>>
    %dma_start3A_126 = arith.constant 0 : i32
    %dma_start3A_127 = arith.constant 15 : i32
    %dma_start3A_128 = arith.constant 0 : i32
    %dma_start3A_129 = tpu.memref_slice %arg7[%dma_start3A_126, %dma_start3A_127, %dma_start3A_128] : memref<20x16x128xf32, #tpu.memory_space<vmem>> -> memref<20x1x128xf32, #tpu.memory_space<vmem>>
    tpu.enqueue_dma source(%arg4 : memref<20x1x128xf32, #tpu.memory_space<hbm>>) target(%dma_start3A_129 : memref<20x1x128xf32, #tpu.memory_space<vmem>>) target_semaphore(%arg23 : memref<!tpu.dma_semaphore, #tpu.memory_space<semaphore_mem>>)
    %dma_wait3A = arith.constant 0 : i32
    %dma_wait3A_130 = arith.constant 0 : i32
    %dma_wait3A_131 = arith.constant 0 : i32
    %dma_wait3A_132 = tpu.memref_slice %arg7[%dma_wait3A, %dma_wait3A_130, %dma_wait3A_131] : memref<20x16x128xf32, #tpu.memory_space<vmem>> -> memref<20x1x128xf32, #tpu.memory_space<vmem>>
    %dma_wait3A_133 = arith.constant 0 : i32
    %dma_wait3A_134 = arith.constant 0 : i32
    %dma_wait3A_135 = arith.constant 0 : i32
    %dma_wait3A_136 = tpu.memref_slice %arg7[%dma_wait3A_133, %dma_wait3A_134, %dma_wait3A_135] : memref<20x16x128xf32, #tpu.memory_space<vmem>> -> memref<20x1x128xf32, #tpu.memory_space<vmem>>
    tpu.wait_dma2 semaphore(%arg23 : memref<!tpu.dma_semaphore, #tpu.memory_space<semaphore_mem>>) src(%arg4 : memref<20x1x128xf32, #tpu.memory_space<hbm>>) dst(%dma_wait3A_136 : memref<20x1x128xf32, #tpu.memory_space<vmem>>)
    %dma_wait3A_137 = arith.constant 0 : i32
    %dma_wait3A_138 = arith.constant 0 : i32
    %dma_wait3A_139 = arith.constant 0 : i32
    %dma_wait3A_140 = tpu.memref_slice %arg7[%dma_wait3A_137, %dma_wait3A_138, %dma_wait3A_139] : memref<20x16x128xf32, #tpu.memory_space<vmem>> -> memref<20x1x128xf32, #tpu.memory_space<vmem>>
    %dma_wait3A_141 = arith.constant 0 : i32
    %dma_wait3A_142 = arith.constant 0 : i32
    %dma_wait3A_143 = arith.constant 0 : i32
    %dma_wait3A_144 = tpu.memref_slice %arg7[%dma_wait3A_141, %dma_wait3A_142, %dma_wait3A_143] : memref<20x16x128xf32, #tpu.memory_space<vmem>> -> memref<20x1x128xf32, #tpu.memory_space<vmem>>
    tpu.wait_dma2 semaphore(%arg23 : memref<!tpu.dma_semaphore, #tpu.memory_space<semaphore_mem>>) src(%arg4 : memref<20x1x128xf32, #tpu.memory_space<hbm>>) dst(%dma_wait3A_144 : memref<20x1x128xf32, #tpu.memory_space<vmem>>)
    %dma_wait3A_145 = arith.constant 0 : i32
    %dma_wait3A_146 = arith.constant 0 : i32
    %dma_wait3A_147 = arith.constant 0 : i32
    %dma_wait3A_148 = tpu.memref_slice %arg7[%dma_wait3A_145, %dma_wait3A_146, %dma_wait3A_147] : memref<20x16x128xf32, #tpu.memory_space<vmem>> -> memref<20x1x128xf32, #tpu.memory_space<vmem>>
    %dma_wait3A_149 = arith.constant 0 : i32
    %dma_wait3A_150 = arith.constant 0 : i32
    %dma_wait3A_151 = arith.constant 0 : i32
    %dma_wait3A_152 = tpu.memref_slice %arg7[%dma_wait3A_149, %dma_wait3A_150, %dma_wait3A_151] : memref<20x16x128xf32, #tpu.memory_space<vmem>> -> memref<20x1x128xf32, #tpu.memory_space<vmem>>
    tpu.wait_dma2 semaphore(%arg23 : memref<!tpu.dma_semaphore, #tpu.memory_space<semaphore_mem>>) src(%arg4 : memref<20x1x128xf32, #tpu.memory_space<hbm>>) dst(%dma_wait3A_152 : memref<20x1x128xf32, #tpu.memory_space<vmem>>)
    %dma_wait3A_153 = arith.constant 0 : i32
    %dma_wait3A_154 = arith.constant 0 : i32
    %dma_wait3A_155 = arith.constant 0 : i32
    %dma_wait3A_156 = tpu.memref_slice %arg7[%dma_wait3A_153, %dma_wait3A_154, %dma_wait3A_155] : memref<20x16x128xf32, #tpu.memory_space<vmem>> -> memref<20x1x128xf32, #tpu.memory_space<vmem>>
    %dma_wait3A_157 = arith.constant 0 : i32
    %dma_wait3A_158 = arith.constant 0 : i32
    %dma_wait3A_159 = arith.constant 0 : i32
    %dma_wait3A_160 = tpu.memref_slice %arg7[%dma_wait3A_157, %dma_wait3A_158, %dma_wait3A_159] : memref<20x16x128xf32, #tpu.memory_space<vmem>> -> memref<20x1x128xf32, #tpu.memory_space<vmem>>
    tpu.wait_dma2 semaphore(%arg23 : memref<!tpu.dma_semaphore, #tpu.memory_space<semaphore_mem>>) src(%arg4 : memref<20x1x128xf32, #tpu.memory_space<hbm>>) dst(%dma_wait3A_160 : memref<20x1x128xf32, #tpu.memory_space<vmem>>)
    %dma_wait3A_161 = arith.constant 0 : i32
    %dma_wait3A_162 = arith.constant 0 : i32
    %dma_wait3A_163 = arith.constant 0 : i32
    %dma_wait3A_164 = tpu.memref_slice %arg7[%dma_wait3A_161, %dma_wait3A_162, %dma_wait3A_163] : memref<20x16x128xf32, #tpu.memory_space<vmem>> -> memref<20x1x128xf32, #tpu.memory_space<vmem>>
    %dma_wait3A_165 = arith.constant 0 : i32
    %dma_wait3A_166 = arith.constant 0 : i32
    %dma_wait3A_167 = arith.constant 0 : i32
    %dma_wait3A_168 = tpu.memref_slice %arg7[%dma_wait3A_165, %dma_wait3A_166, %dma_wait3A_167] : memref<20x16x128xf32, #tpu.memory_space<vmem>> -> memref<20x1x128xf32, #tpu.memory_space<vmem>>
    tpu.wait_dma2 semaphore(%arg23 : memref<!tpu.dma_semaphore, #tpu.memory_space<semaphore_mem>>) src(%arg4 : memref<20x1x128xf32, #tpu.memory_space<hbm>>) dst(%dma_wait3A_168 : memref<20x1x128xf32, #tpu.memory_space<vmem>>)
    %dma_wait3A_169 = arith.constant 0 : i32
    %dma_wait3A_170 = arith.constant 0 : i32
    %dma_wait3A_171 = arith.constant 0 : i32
    %dma_wait3A_172 = tpu.memref_slice %arg7[%dma_wait3A_169, %dma_wait3A_170, %dma_wait3A_171] : memref<20x16x128xf32, #tpu.memory_space<vmem>> -> memref<20x1x128xf32, #tpu.memory_space<vmem>>
    %dma_wait3A_173 = arith.constant 0 : i32
    %dma_wait3A_174 = arith.constant 0 : i32
    %dma_wait3A_175 = arith.constant 0 : i32
    %dma_wait3A_176 = tpu.memref_slice %arg7[%dma_wait3A_173, %dma_wait3A_174, %dma_wait3A_175] : memref<20x16x128xf32, #tpu.memory_space<vmem>> -> memref<20x1x128xf32, #tpu.memory_space<vmem>>
    tpu.wait_dma2 semaphore(%arg23 : memref<!tpu.dma_semaphore, #tpu.memory_space<semaphore_mem>>) src(%arg4 : memref<20x1x128xf32, #tpu.memory_space<hbm>>) dst(%dma_wait3A_176 : memref<20x1x128xf32, #tpu.memory_space<vmem>>)
    %dma_wait3A_177 = arith.constant 0 : i32
    %dma_wait3A_178 = arith.constant 0 : i32
    %dma_wait3A_179 = arith.constant 0 : i32
    %dma_wait3A_180 = tpu.memref_slice %arg7[%dma_wait3A_177, %dma_wait3A_178, %dma_wait3A_179] : memref<20x16x128xf32, #tpu.memory_space<vmem>> -> memref<20x1x128xf32, #tpu.memory_space<vmem>>
    %dma_wait3A_181 = arith.constant 0 : i32
    %dma_wait3A_182 = arith.constant 0 : i32
    %dma_wait3A_183 = arith.constant 0 : i32
    %dma_wait3A_184 = tpu.memref_slice %arg7[%dma_wait3A_181, %dma_wait3A_182, %dma_wait3A_183] : memref<20x16x128xf32, #tpu.memory_space<vmem>> -> memref<20x1x128xf32, #tpu.memory_space<vmem>>
    tpu.wait_dma2 semaphore(%arg23 : memref<!tpu.dma_semaphore, #tpu.memory_space<semaphore_mem>>) src(%arg4 : memref<20x1x128xf32, #tpu.memory_space<hbm>>) dst(%dma_wait3A_184 : memref<20x1x128xf32, #tpu.memory_space<vmem>>)
    %dma_wait3A_185 = arith.constant 0 : i32
    %dma_wait3A_186 = arith.constant 0 : i32
    %dma_wait3A_187 = arith.constant 0 : i32
    %dma_wait3A_188 = tpu.memref_slice %arg7[%dma_wait3A_185, %dma_wait3A_186, %dma_wait3A_187] : memref<20x16x128xf32, #tpu.memory_space<vmem>> -> memref<20x1x128xf32, #tpu.memory_space<vmem>>
    %dma_wait3A_189 = arith.constant 0 : i32
    %dma_wait3A_190 = arith.constant 0 : i32
    %dma_wait3A_191 = arith.constant 0 : i32
    %dma_wait3A_192 = tpu.memref_slice %arg7[%dma_wait3A_189, %dma_wait3A_190, %dma_wait3A_191] : memref<20x16x128xf32, #tpu.memory_space<vmem>> -> memref<20x1x128xf32, #tpu.memory_space<vmem>>
    tpu.wait_dma2 semaphore(%arg23 : memref<!tpu.dma_semaphore, #tpu.memory_space<semaphore_mem>>) src(%arg4 : memref<20x1x128xf32, #tpu.memory_space<hbm>>) dst(%dma_wait3A_192 : memref<20x1x128xf32, #tpu.memory_space<vmem>>)
    %dma_wait3A_193 = arith.constant 0 : i32
    %dma_wait3A_194 = arith.constant 0 : i32
    %dma_wait3A_195 = arith.constant 0 : i32
    %dma_wait3A_196 = tpu.memref_slice %arg7[%dma_wait3A_193, %dma_wait3A_194, %dma_wait3A_195] : memref<20x16x128xf32, #tpu.memory_space<vmem>> -> memref<20x1x128xf32, #tpu.memory_space<vmem>>
    %dma_wait3A_197 = arith.constant 0 : i32
    %dma_wait3A_198 = arith.constant 0 : i32
    %dma_wait3A_199 = arith.constant 0 : i32
    %dma_wait3A_200 = tpu.memref_slice %arg7[%dma_wait3A_197, %dma_wait3A_198, %dma_wait3A_199] : memref<20x16x128xf32, #tpu.memory_space<vmem>> -> memref<20x1x128xf32, #tpu.memory_space<vmem>>
    tpu.wait_dma2 semaphore(%arg23 : memref<!tpu.dma_semaphore, #tpu.memory_space<semaphore_mem>>) src(%arg4 : memref<20x1x128xf32, #tpu.memory_space<hbm>>) dst(%dma_wait3A_200 : memref<20x1x128xf32, #tpu.memory_space<vmem>>)
    %dma_wait3A_201 = arith.constant 0 : i32
    %dma_wait3A_202 = arith.constant 0 : i32
    %dma_wait3A_203 = arith.constant 0 : i32
    %dma_wait3A_204 = tpu.memref_slice %arg7[%dma_wait3A_201, %dma_wait3A_202, %dma_wait3A_203] : memref<20x16x128xf32, #tpu.memory_space<vmem>> -> memref<20x1x128xf32, #tpu.memory_space<vmem>>
    %dma_wait3A_205 = arith.constant 0 : i32
    %dma_wait3A_206 = arith.constant 0 : i32
    %dma_wait3A_207 = arith.constant 0 : i32
    %dma_wait3A_208 = tpu.memref_slice %arg7[%dma_wait3A_205, %dma_wait3A_206, %dma_wait3A_207] : memref<20x16x128xf32, #tpu.memory_space<vmem>> -> memref<20x1x128xf32, #tpu.memory_space<vmem>>
    tpu.wait_dma2 semaphore(%arg23 : memref<!tpu.dma_semaphore, #tpu.memory_space<semaphore_mem>>) src(%arg4 : memref<20x1x128xf32, #tpu.memory_space<hbm>>) dst(%dma_wait3A_208 : memref<20x1x128xf32, #tpu.memory_space<vmem>>)
    %dma_wait3A_209 = arith.constant 0 : i32
    %dma_wait3A_210 = arith.constant 0 : i32
    %dma_wait3A_211 = arith.constant 0 : i32
    %dma_wait3A_212 = tpu.memref_slice %arg7[%dma_wait3A_209, %dma_wait3A_210, %dma_wait3A_211] : memref<20x16x128xf32, #tpu.memory_space<vmem>> -> memref<20x1x128xf32, #tpu.memory_space<vmem>>
    %dma_wait3A_213 = arith.constant 0 : i32
    %dma_wait3A_214 = arith.constant 0 : i32
    %dma_wait3A_215 = arith.constant 0 : i32
    %dma_wait3A_216 = tpu.memref_slice %arg7[%dma_wait3A_213, %dma_wait3A_214, %dma_wait3A_215] : memref<20x16x128xf32, #tpu.memory_space<vmem>> -> memref<20x1x128xf32, #tpu.memory_space<vmem>>
    tpu.wait_dma2 semaphore(%arg23 : memref<!tpu.dma_semaphore, #tpu.memory_space<semaphore_mem>>) src(%arg4 : memref<20x1x128xf32, #tpu.memory_space<hbm>>) dst(%dma_wait3A_216 : memref<20x1x128xf32, #tpu.memory_space<vmem>>)
    %dma_wait3A_217 = arith.constant 0 : i32
    %dma_wait3A_218 = arith.constant 0 : i32
    %dma_wait3A_219 = arith.constant 0 : i32
    %dma_wait3A_220 = tpu.memref_slice %arg7[%dma_wait3A_217, %dma_wait3A_218, %dma_wait3A_219] : memref<20x16x128xf32, #tpu.memory_space<vmem>> -> memref<20x1x128xf32, #tpu.memory_space<vmem>>
    %dma_wait3A_221 = arith.constant 0 : i32
    %dma_wait3A_222 = arith.constant 0 : i32
    %dma_wait3A_223 = arith.constant 0 : i32
    %dma_wait3A_224 = tpu.memref_slice %arg7[%dma_wait3A_221, %dma_wait3A_222, %dma_wait3A_223] : memref<20x16x128xf32, #tpu.memory_space<vmem>> -> memref<20x1x128xf32, #tpu.memory_space<vmem>>
    tpu.wait_dma2 semaphore(%arg23 : memref<!tpu.dma_semaphore, #tpu.memory_space<semaphore_mem>>) src(%arg4 : memref<20x1x128xf32, #tpu.memory_space<hbm>>) dst(%dma_wait3A_224 : memref<20x1x128xf32, #tpu.memory_space<vmem>>)
    %dma_wait3A_225 = arith.constant 0 : i32
    %dma_wait3A_226 = arith.constant 0 : i32
    %dma_wait3A_227 = arith.constant 0 : i32
    %dma_wait3A_228 = tpu.memref_slice %arg7[%dma_wait3A_225, %dma_wait3A_226, %dma_wait3A_227] : memref<20x16x128xf32, #tpu.memory_space<vmem>> -> memref<20x1x128xf32, #tpu.memory_space<vmem>>
    %dma_wait3A_229 = arith.constant 0 : i32
    %dma_wait3A_230 = arith.constant 0 : i32
    %dma_wait3A_231 = arith.constant 0 : i32
    %dma_wait3A_232 = tpu.memref_slice %arg7[%dma_wait3A_229, %dma_wait3A_230, %dma_wait3A_231] : memref<20x16x128xf32, #tpu.memory_space<vmem>> -> memref<20x1x128xf32, #tpu.memory_space<vmem>>
    tpu.wait_dma2 semaphore(%arg23 : memref<!tpu.dma_semaphore, #tpu.memory_space<semaphore_mem>>) src(%arg4 : memref<20x1x128xf32, #tpu.memory_space<hbm>>) dst(%dma_wait3A_232 : memref<20x1x128xf32, #tpu.memory_space<vmem>>)
    %dma_wait3A_233 = arith.constant 0 : i32
    %dma_wait3A_234 = arith.constant 0 : i32
    %dma_wait3A_235 = arith.constant 0 : i32
    %dma_wait3A_236 = tpu.memref_slice %arg7[%dma_wait3A_233, %dma_wait3A_234, %dma_wait3A_235] : memref<20x16x128xf32, #tpu.memory_space<vmem>> -> memref<20x1x128xf32, #tpu.memory_space<vmem>>
    %dma_wait3A_237 = arith.constant 0 : i32
    %dma_wait3A_238 = arith.constant 0 : i32
    %dma_wait3A_239 = arith.constant 0 : i32
    %dma_wait3A_240 = tpu.memref_slice %arg7[%dma_wait3A_237, %dma_wait3A_238, %dma_wait3A_239] : memref<20x16x128xf32, #tpu.memory_space<vmem>> -> memref<20x1x128xf32, #tpu.memory_space<vmem>>
    tpu.wait_dma2 semaphore(%arg23 : memref<!tpu.dma_semaphore, #tpu.memory_space<semaphore_mem>>) src(%arg4 : memref<20x1x128xf32, #tpu.memory_space<hbm>>) dst(%dma_wait3A_240 : memref<20x1x128xf32, #tpu.memory_space<vmem>>)
    %dma_wait3A_241 = arith.constant 0 : i32
    %dma_wait3A_242 = arith.constant 0 : i32
    %dma_wait3A_243 = arith.constant 0 : i32
    %dma_wait3A_244 = tpu.memref_slice %arg7[%dma_wait3A_241, %dma_wait3A_242, %dma_wait3A_243] : memref<20x16x128xf32, #tpu.memory_space<vmem>> -> memref<20x1x128xf32, #tpu.memory_space<vmem>>
    %dma_wait3A_245 = arith.constant 0 : i32
    %dma_wait3A_246 = arith.constant 0 : i32
    %dma_wait3A_247 = arith.constant 0 : i32
    %dma_wait3A_248 = tpu.memref_slice %arg7[%dma_wait3A_245, %dma_wait3A_246, %dma_wait3A_247] : memref<20x16x128xf32, #tpu.memory_space<vmem>> -> memref<20x1x128xf32, #tpu.memory_space<vmem>>
    tpu.wait_dma2 semaphore(%arg23 : memref<!tpu.dma_semaphore, #tpu.memory_space<semaphore_mem>>) src(%arg4 : memref<20x1x128xf32, #tpu.memory_space<hbm>>) dst(%dma_wait3A_248 : memref<20x1x128xf32, #tpu.memory_space<vmem>>)
    %dma_wait3A_249 = arith.constant 0 : i32
    %dma_wait3A_250 = arith.constant 0 : i32
    %dma_wait3A_251 = arith.constant 0 : i32
    %dma_wait3A_252 = tpu.memref_slice %arg7[%dma_wait3A_249, %dma_wait3A_250, %dma_wait3A_251] : memref<20x16x128xf32, #tpu.memory_space<vmem>> -> memref<20x1x128xf32, #tpu.memory_space<vmem>>
    %dma_wait3A_253 = arith.constant 0 : i32
    %dma_wait3A_254 = arith.constant 0 : i32
    %dma_wait3A_255 = arith.constant 0 : i32
    %dma_wait3A_256 = tpu.memref_slice %arg7[%dma_wait3A_253, %dma_wait3A_254, %dma_wait3A_255] : memref<20x16x128xf32, #tpu.memory_space<vmem>> -> memref<20x1x128xf32, #tpu.memory_space<vmem>>
    tpu.wait_dma2 semaphore(%arg23 : memref<!tpu.dma_semaphore, #tpu.memory_space<semaphore_mem>>) src(%arg4 : memref<20x1x128xf32, #tpu.memory_space<hbm>>) dst(%dma_wait3A_256 : memref<20x1x128xf32, #tpu.memory_space<vmem>>)
    %add3A_257 = arith.constant 0 : i32
    %add3A_258 = arith.addi %mul3A_2, %add3A_257 : i32
    %dma_start3A_259 = arith.constant 0 : i32
    %dma_start3A_260 = arith.constant 0 : i32
    %dma_start3A_261 = tpu.memref_slice %arg5[%dma_start3A_259, %add3A_258, %dma_start3A_260] : memref<70x4096x128xf32, #tpu.memory_space<hbm>> -> memref<20x16x128xf32, #tpu.memory_space<hbm>>
    %dma_start3A_262 = arith.constant 0 : i32
    %dma_start3A_263 = arith.constant 0 : i32
    %dma_start3A_264 = tpu.memref_slice %arg5[%dma_start3A_262, %add3A_258, %dma_start3A_263] : memref<70x4096x128xf32, #tpu.memory_space<hbm>> -> memref<20x16x128xf32, #tpu.memory_space<hbm>>
    tpu.enqueue_dma source(%arg7 : memref<20x16x128xf32, #tpu.memory_space<vmem>>) target(%dma_start3A_264 : memref<20x16x128xf32, #tpu.memory_space<hbm>>) target_semaphore(%arg23 : memref<!tpu.dma_semaphore, #tpu.memory_space<semaphore_mem>>)
    %add3A_265 = arith.constant 16 : i32
    %add3A_266 = arith.addi %mul3A_2, %add3A_265 : i32
    %dma_start3A_267 = arith.constant 0 : i32
    %dma_start3A_268 = arith.constant 0 : i32
    %dma_start3A_269 = tpu.memref_slice %arg5[%dma_start3A_267, %add3A_266, %dma_start3A_268] : memref<70x4096x128xf32, #tpu.memory_space<hbm>> -> memref<20x16x128xf32, #tpu.memory_space<hbm>>
    %dma_start3A_270 = arith.constant 0 : i32
    %dma_start3A_271 = arith.constant 0 : i32
    %dma_start3A_272 = tpu.memref_slice %arg5[%dma_start3A_270, %add3A_266, %dma_start3A_271] : memref<70x4096x128xf32, #tpu.memory_space<hbm>> -> memref<20x16x128xf32, #tpu.memory_space<hbm>>
    tpu.enqueue_dma source(%arg7 : memref<20x16x128xf32, #tpu.memory_space<vmem>>) target(%dma_start3A_272 : memref<20x16x128xf32, #tpu.memory_space<hbm>>) target_semaphore(%arg23 : memref<!tpu.dma_semaphore, #tpu.memory_space<semaphore_mem>>)
    %add3A_273 = arith.constant 32 : i32
    %add3A_274 = arith.addi %mul3A_2, %add3A_273 : i32
    %dma_start3A_275 = arith.constant 0 : i32
    %dma_start3A_276 = arith.constant 0 : i32
    %dma_start3A_277 = tpu.memref_slice %arg5[%dma_start3A_275, %add3A_274, %dma_start3A_276] : memref<70x4096x128xf32, #tpu.memory_space<hbm>> -> memref<20x16x128xf32, #tpu.memory_space<hbm>>
    %dma_start3A_278 = arith.constant 0 : i32
    %dma_start3A_279 = arith.constant 0 : i32
    %dma_start3A_280 = tpu.memref_slice %arg5[%dma_start3A_278, %add3A_274, %dma_start3A_279] : memref<70x4096x128xf32, #tpu.memory_space<hbm>> -> memref<20x16x128xf32, #tpu.memory_space<hbm>>
    tpu.enqueue_dma source(%arg7 : memref<20x16x128xf32, #tpu.memory_space<vmem>>) target(%dma_start3A_280 : memref<20x16x128xf32, #tpu.memory_space<hbm>>) target_semaphore(%arg23 : memref<!tpu.dma_semaphore, #tpu.memory_space<semaphore_mem>>)
    %add3A_281 = arith.constant 48 : i32
    %add3A_282 = arith.addi %mul3A_2, %add3A_281 : i32
    %dma_start3A_283 = arith.constant 0 : i32
    %dma_start3A_284 = arith.constant 0 : i32
    %dma_start3A_285 = tpu.memref_slice %arg5[%dma_start3A_283, %add3A_282, %dma_start3A_284] : memref<70x4096x128xf32, #tpu.memory_space<hbm>> -> memref<20x16x128xf32, #tpu.memory_space<hbm>>
    %dma_start3A_286 = arith.constant 0 : i32
    %dma_start3A_287 = arith.constant 0 : i32
    %dma_start3A_288 = tpu.memref_slice %arg5[%dma_start3A_286, %add3A_282, %dma_start3A_287] : memref<70x4096x128xf32, #tpu.memory_space<hbm>> -> memref<20x16x128xf32, #tpu.memory_space<hbm>>
    tpu.enqueue_dma source(%arg7 : memref<20x16x128xf32, #tpu.memory_space<vmem>>) target(%dma_start3A_288 : memref<20x16x128xf32, #tpu.memory_space<hbm>>) target_semaphore(%arg23 : memref<!tpu.dma_semaphore, #tpu.memory_space<semaphore_mem>>)
    %add3A_289 = arith.constant 64 : i32
    %add3A_290 = arith.addi %mul3A_2, %add3A_289 : i32
    %dma_start3A_291 = arith.constant 0 : i32
    %dma_start3A_292 = arith.constant 0 : i32
    %dma_start3A_293 = tpu.memref_slice %arg5[%dma_start3A_291, %add3A_290, %dma_start3A_292] : memref<70x4096x128xf32, #tpu.memory_space<hbm>> -> memref<20x16x128xf32, #tpu.memory_space<hbm>>
    %dma_start3A_294 = arith.constant 0 : i32
    %dma_start3A_295 = arith.constant 0 : i32
    %dma_start3A_296 = tpu.memref_slice %arg5[%dma_start3A_294, %add3A_290, %dma_start3A_295] : memref<70x4096x128xf32, #tpu.memory_space<hbm>> -> memref<20x16x128xf32, #tpu.memory_space<hbm>>
    tpu.enqueue_dma source(%arg7 : memref<20x16x128xf32, #tpu.memory_space<vmem>>) target(%dma_start3A_296 : memref<20x16x128xf32, #tpu.memory_space<hbm>>) target_semaphore(%arg23 : memref<!tpu.dma_semaphore, #tpu.memory_space<semaphore_mem>>)
    %add3A_297 = arith.constant 80 : i32
    %add3A_298 = arith.addi %mul3A_2, %add3A_297 : i32
    %dma_start3A_299 = arith.constant 0 : i32
    %dma_start3A_300 = arith.constant 0 : i32
    %dma_start3A_301 = tpu.memref_slice %arg5[%dma_start3A_299, %add3A_298, %dma_start3A_300] : memref<70x4096x128xf32, #tpu.memory_space<hbm>> -> memref<20x16x128xf32, #tpu.memory_space<hbm>>
    %dma_start3A_302 = arith.constant 0 : i32
    %dma_start3A_303 = arith.constant 0 : i32
    %dma_start3A_304 = tpu.memref_slice %arg5[%dma_start3A_302, %add3A_298, %dma_start3A_303] : memref<70x4096x128xf32, #tpu.memory_space<hbm>> -> memref<20x16x128xf32, #tpu.memory_space<hbm>>
    tpu.enqueue_dma source(%arg7 : memref<20x16x128xf32, #tpu.memory_space<vmem>>) target(%dma_start3A_304 : memref<20x16x128xf32, #tpu.memory_space<hbm>>) target_semaphore(%arg23 : memref<!tpu.dma_semaphore, #tpu.memory_space<semaphore_mem>>)
    %add3A_305 = arith.constant 96 : i32
    %add3A_306 = arith.addi %mul3A_2, %add3A_305 : i32
    %dma_start3A_307 = arith.constant 0 : i32
    %dma_start3A_308 = arith.constant 0 : i32
    %dma_start3A_309 = tpu.memref_slice %arg5[%dma_start3A_307, %add3A_306, %dma_start3A_308] : memref<70x4096x128xf32, #tpu.memory_space<hbm>> -> memref<20x16x128xf32, #tpu.memory_space<hbm>>
    %dma_start3A_310 = arith.constant 0 : i32
    %dma_start3A_311 = arith.constant 0 : i32
    %dma_start3A_312 = tpu.memref_slice %arg5[%dma_start3A_310, %add3A_306, %dma_start3A_311] : memref<70x4096x128xf32, #tpu.memory_space<hbm>> -> memref<20x16x128xf32, #tpu.memory_space<hbm>>
    tpu.enqueue_dma source(%arg7 : memref<20x16x128xf32, #tpu.memory_space<vmem>>) target(%dma_start3A_312 : memref<20x16x128xf32, #tpu.memory_space<hbm>>) target_semaphore(%arg23 : memref<!tpu.dma_semaphore, #tpu.memory_space<semaphore_mem>>)
    %add3A_313 = arith.constant 112 : i32
    %add3A_314 = arith.addi %mul3A_2, %add3A_313 : i32
    %dma_start3A_315 = arith.constant 0 : i32
    %dma_start3A_316 = arith.constant 0 : i32
    %dma_start3A_317 = tpu.memref_slice %arg5[%dma_start3A_315, %add3A_314, %dma_start3A_316] : memref<70x4096x128xf32, #tpu.memory_space<hbm>> -> memref<20x16x128xf32, #tpu.memory_space<hbm>>
    %dma_start3A_318 = arith.constant 0 : i32
    %dma_start3A_319 = arith.constant 0 : i32
    %dma_start3A_320 = tpu.memref_slice %arg5[%dma_start3A_318, %add3A_314, %dma_start3A_319] : memref<70x4096x128xf32, #tpu.memory_space<hbm>> -> memref<20x16x128xf32, #tpu.memory_space<hbm>>
    tpu.enqueue_dma source(%arg7 : memref<20x16x128xf32, #tpu.memory_space<vmem>>) target(%dma_start3A_320 : memref<20x16x128xf32, #tpu.memory_space<hbm>>) target_semaphore(%arg23 : memref<!tpu.dma_semaphore, #tpu.memory_space<semaphore_mem>>)
    %dma_start3A_321 = arith.constant 0 : i32
    %dma_start3A_322 = arith.constant 0 : i32
    %dma_start3A_323 = tpu.memref_slice %arg6[%dma_start3A_321, %dma_start3A_322] : memref<50x128xi32, #tpu.memory_space<vmem>> -> memref<1x128xi32, #tpu.memory_space<vmem>>
    %dma_start3A_324 = tpu.memref_squeeze %dma_start3A_323 : memref<1x128xi32, #tpu.memory_space<vmem>> -> memref<128xi32, #tpu.memory_space<vmem>>
    %dma_start3A_325 = arith.constant 0 : i32
    %dma_start3A_326 = arith.constant 0 : i32
    %dma_start3A_327 = tpu.memref_slice %arg3[%dma_start3A_325, %dma_start3A_326] : memref<100000x128xf32, #tpu.memory_space<hbm>> -> memref<100000x128xf32, #tpu.memory_space<hbm>>
    tpu.enqueue_indirect_dma source(%dma_start3A_327 : memref<100000x128xf32, #tpu.memory_space<hbm>>) target(%arg8 : memref<128x128xf32, #tpu.memory_space<vmem>>) offsets(%dma_start3A_324 : memref<128xi32, #tpu.memory_space<vmem>>) semaphore(%arg13 : memref<!tpu.dma_semaphore, #tpu.memory_space<semaphore_mem>>)
    %dma_start3A_328 = arith.constant 1 : i32
    %dma_start3A_329 = arith.constant 0 : i32
    %dma_start3A_330 = tpu.memref_slice %arg6[%dma_start3A_328, %dma_start3A_329] : memref<50x128xi32, #tpu.memory_space<vmem>> -> memref<1x128xi32, #tpu.memory_space<vmem>>
    %dma_start3A_331 = tpu.memref_squeeze %dma_start3A_330 : memref<1x128xi32, #tpu.memory_space<vmem>> -> memref<128xi32, #tpu.memory_space<vmem>>
    %dma_start3A_332 = arith.constant 0 : i32
    %dma_start3A_333 = arith.constant 0 : i32
    %dma_start3A_334 = tpu.memref_slice %arg3[%dma_start3A_332, %dma_start3A_333] : memref<100000x128xf32, #tpu.memory_space<hbm>> -> memref<100000x128xf32, #tpu.memory_space<hbm>>
    tpu.enqueue_indirect_dma source(%dma_start3A_334 : memref<100000x128xf32, #tpu.memory_space<hbm>>) target(%arg9 : memref<128x128xf32, #tpu.memory_space<vmem>>) offsets(%dma_start3A_331 : memref<128xi32, #tpu.memory_space<vmem>>) semaphore(%arg14 : memref<!tpu.dma_semaphore, #tpu.memory_space<semaphore_mem>>)
    %dma_start3A_335 = arith.constant 2 : i32
    %dma_start3A_336 = arith.constant 0 : i32
    %dma_start3A_337 = tpu.memref_slice %arg6[%dma_start3A_335, %dma_start3A_336] : memref<50x128xi32, #tpu.memory_space<vmem>> -> memref<1x128xi32, #tpu.memory_space<vmem>>
    %dma_start3A_338 = tpu.memref_squeeze %dma_start3A_337 : memref<1x128xi32, #tpu.memory_space<vmem>> -> memref<128xi32, #tpu.memory_space<vmem>>
    %dma_start3A_339 = arith.constant 0 : i32
    %dma_start3A_340 = arith.constant 0 : i32
    %dma_start3A_341 = tpu.memref_slice %arg3[%dma_start3A_339, %dma_start3A_340] : memref<100000x128xf32, #tpu.memory_space<hbm>> -> memref<100000x128xf32, #tpu.memory_space<hbm>>
    tpu.enqueue_indirect_dma source(%dma_start3A_341 : memref<100000x128xf32, #tpu.memory_space<hbm>>) target(%arg10 : memref<128x128xf32, #tpu.memory_space<vmem>>) offsets(%dma_start3A_338 : memref<128xi32, #tpu.memory_space<vmem>>) semaphore(%arg15 : memref<!tpu.dma_semaphore, #tpu.memory_space<semaphore_mem>>)
    %dma_start3A_342 = arith.constant 3 : i32
    %dma_start3A_343 = arith.constant 0 : i32
    %dma_start3A_344 = tpu.memref_slice %arg6[%dma_start3A_342, %dma_start3A_343] : memref<50x128xi32, #tpu.memory_space<vmem>> -> memref<1x128xi32, #tpu.memory_space<vmem>>
    %dma_start3A_345 = tpu.memref_squeeze %dma_start3A_344 : memref<1x128xi32, #tpu.memory_space<vmem>> -> memref<128xi32, #tpu.memory_space<vmem>>
    %dma_start3A_346 = arith.constant 0 : i32
    %dma_start3A_347 = arith.constant 0 : i32
    %dma_start3A_348 = tpu.memref_slice %arg3[%dma_start3A_346, %dma_start3A_347] : memref<100000x128xf32, #tpu.memory_space<hbm>> -> memref<100000x128xf32, #tpu.memory_space<hbm>>
    tpu.enqueue_indirect_dma source(%dma_start3A_348 : memref<100000x128xf32, #tpu.memory_space<hbm>>) target(%arg11 : memref<128x128xf32, #tpu.memory_space<vmem>>) offsets(%dma_start3A_345 : memref<128xi32, #tpu.memory_space<vmem>>) semaphore(%arg16 : memref<!tpu.dma_semaphore, #tpu.memory_space<semaphore_mem>>)
    %dma_start3A_349 = arith.constant 4 : i32
    %dma_start3A_350 = arith.constant 0 : i32
    %dma_start3A_351 = tpu.memref_slice %arg6[%dma_start3A_349, %dma_start3A_350] : memref<50x128xi32, #tpu.memory_space<vmem>> -> memref<1x128xi32, #tpu.memory_space<vmem>>
    %dma_start3A_352 = tpu.memref_squeeze %dma_start3A_351 : memref<1x128xi32, #tpu.memory_space<vmem>> -> memref<128xi32, #tpu.memory_space<vmem>>
    %dma_start3A_353 = arith.constant 0 : i32
    %dma_start3A_354 = arith.constant 0 : i32
    %dma_start3A_355 = tpu.memref_slice %arg3[%dma_start3A_353, %dma_start3A_354] : memref<100000x128xf32, #tpu.memory_space<hbm>> -> memref<100000x128xf32, #tpu.memory_space<hbm>>
    tpu.enqueue_indirect_dma source(%dma_start3A_355 : memref<100000x128xf32, #tpu.memory_space<hbm>>) target(%arg12 : memref<128x128xf32, #tpu.memory_space<vmem>>) offsets(%dma_start3A_352 : memref<128xi32, #tpu.memory_space<vmem>>) semaphore(%arg17 : memref<!tpu.dma_semaphore, #tpu.memory_space<semaphore_mem>>)
    %scan3A = arith.constant 0 : i32
    %scan3A_356 = arith.constant 0 : i32
    %scan3A_357 = arith.constant 9 : i32
    %scan3A_358 = arith.addi %scan3A_356, %scan3A_357 : i32
    %scan3A_359 = arith.constant 1 : i32
    scf.for %scan3A_535 = %scan3A_356 to %scan3A_358 step %scan3A_359  : i32 {
      %mul3A_536 = arith.constant 5 : i32
      %mul3A_537 = arith.muli %scan3A_535, %mul3A_536 : i32
      %add3A_538 = arith.constant 20 : i32
      %add3A_539 = arith.addi %add3A_538, %mul3A_537 : i32
      %dma_wait3A_540 = arith.constant 0 : i32
      %dma_wait3A_541 = arith.constant 0 : i32
      %dma_wait3A_542 = tpu.memref_slice %arg3[%dma_wait3A_540, %dma_wait3A_541] : memref<100000x128xf32, #tpu.memory_space<hbm>> -> memref<128x128xf32, #tpu.memory_space<hbm>>
      %dma_wait3A_543 = arith.constant 0 : i32
      %dma_wait3A_544 = arith.constant 0 : i32
      %dma_wait3A_545 = tpu.memref_slice %arg3[%dma_wait3A_543, %dma_wait3A_544] : memref<100000x128xf32, #tpu.memory_space<hbm>> -> memref<128x128xf32, #tpu.memory_space<hbm>>
      tpu.wait_dma2 semaphore(%arg13 : memref<!tpu.dma_semaphore, #tpu.memory_space<semaphore_mem>>) src(%dma_wait3A_545 : memref<128x128xf32, #tpu.memory_space<hbm>>) dst(%arg8 : memref<128x128xf32, #tpu.memory_space<vmem>>)
      %add3A_546 = arith.constant 0 : i32
      %add3A_547 = arith.addi %add3A_539, %add3A_546 : i32
      %dma_start3A_548 = arith.constant 0 : i32
      %dma_start3A_549 = tpu.memref_slice %arg5[%add3A_547, %mul3A_2, %dma_start3A_548] : memref<70x4096x128xf32, #tpu.memory_space<hbm>> -> memref<1x128x128xf32, #tpu.memory_space<hbm>>
      %dma_start3A_550 = tpu.memref_squeeze %dma_start3A_549 : memref<1x128x128xf32, #tpu.memory_space<hbm>> -> memref<128x128xf32, #tpu.memory_space<hbm>>
      %dma_start3A_551 = arith.constant 0 : i32
      %dma_start3A_552 = tpu.memref_slice %arg5[%add3A_547, %mul3A_2, %dma_start3A_551] : memref<70x4096x128xf32, #tpu.memory_space<hbm>> -> memref<1x128x128xf32, #tpu.memory_space<hbm>>
      %dma_start3A_553 = tpu.memref_squeeze %dma_start3A_552 : memref<1x128x128xf32, #tpu.memory_space<hbm>> -> memref<128x128xf32, #tpu.memory_space<hbm>>
      tpu.enqueue_dma source(%arg8 : memref<128x128xf32, #tpu.memory_space<vmem>>) target(%dma_start3A_553 : memref<128x128xf32, #tpu.memory_space<hbm>>) target_semaphore(%arg18 : memref<!tpu.dma_semaphore, #tpu.memory_space<semaphore_mem>>)
      %dma_wait3A_554 = arith.constant 0 : i32
      %dma_wait3A_555 = arith.constant 0 : i32
      %dma_wait3A_556 = tpu.memref_slice %arg3[%dma_wait3A_554, %dma_wait3A_555] : memref<100000x128xf32, #tpu.memory_space<hbm>> -> memref<128x128xf32, #tpu.memory_space<hbm>>
      %dma_wait3A_557 = arith.constant 0 : i32
      %dma_wait3A_558 = arith.constant 0 : i32
      %dma_wait3A_559 = tpu.memref_slice %arg3[%dma_wait3A_557, %dma_wait3A_558] : memref<100000x128xf32, #tpu.memory_space<hbm>> -> memref<128x128xf32, #tpu.memory_space<hbm>>
      tpu.wait_dma2 semaphore(%arg14 : memref<!tpu.dma_semaphore, #tpu.memory_space<semaphore_mem>>) src(%dma_wait3A_559 : memref<128x128xf32, #tpu.memory_space<hbm>>) dst(%arg9 : memref<128x128xf32, #tpu.memory_space<vmem>>)
      %add3A_560 = arith.constant 1 : i32
      %add3A_561 = arith.addi %add3A_539, %add3A_560 : i32
      %dma_start3A_562 = arith.constant 0 : i32
      %dma_start3A_563 = tpu.memref_slice %arg5[%add3A_561, %mul3A_2, %dma_start3A_562] : memref<70x4096x128xf32, #tpu.memory_space<hbm>> -> memref<1x128x128xf32, #tpu.memory_space<hbm>>
      %dma_start3A_564 = tpu.memref_squeeze %dma_start3A_563 : memref<1x128x128xf32, #tpu.memory_space<hbm>> -> memref<128x128xf32, #tpu.memory_space<hbm>>
      %dma_start3A_565 = arith.constant 0 : i32
      %dma_start3A_566 = tpu.memref_slice %arg5[%add3A_561, %mul3A_2, %dma_start3A_565] : memref<70x4096x128xf32, #tpu.memory_space<hbm>> -> memref<1x128x128xf32, #tpu.memory_space<hbm>>
      %dma_start3A_567 = tpu.memref_squeeze %dma_start3A_566 : memref<1x128x128xf32, #tpu.memory_space<hbm>> -> memref<128x128xf32, #tpu.memory_space<hbm>>
      tpu.enqueue_dma source(%arg9 : memref<128x128xf32, #tpu.memory_space<vmem>>) target(%dma_start3A_567 : memref<128x128xf32, #tpu.memory_space<hbm>>) target_semaphore(%arg19 : memref<!tpu.dma_semaphore, #tpu.memory_space<semaphore_mem>>)
      %dma_wait3A_568 = arith.constant 0 : i32
      %dma_wait3A_569 = arith.constant 0 : i32
      %dma_wait3A_570 = tpu.memref_slice %arg3[%dma_wait3A_568, %dma_wait3A_569] : memref<100000x128xf32, #tpu.memory_space<hbm>> -> memref<128x128xf32, #tpu.memory_space<hbm>>
      %dma_wait3A_571 = arith.constant 0 : i32
      %dma_wait3A_572 = arith.constant 0 : i32
      %dma_wait3A_573 = tpu.memref_slice %arg3[%dma_wait3A_571, %dma_wait3A_572] : memref<100000x128xf32, #tpu.memory_space<hbm>> -> memref<128x128xf32, #tpu.memory_space<hbm>>
      tpu.wait_dma2 semaphore(%arg15 : memref<!tpu.dma_semaphore, #tpu.memory_space<semaphore_mem>>) src(%dma_wait3A_573 : memref<128x128xf32, #tpu.memory_space<hbm>>) dst(%arg10 : memref<128x128xf32, #tpu.memory_space<vmem>>)
      %add3A_574 = arith.constant 2 : i32
      %add3A_575 = arith.addi %add3A_539, %add3A_574 : i32
      %dma_start3A_576 = arith.constant 0 : i32
      %dma_start3A_577 = tpu.memref_slice %arg5[%add3A_575, %mul3A_2, %dma_start3A_576] : memref<70x4096x128xf32, #tpu.memory_space<hbm>> -> memref<1x128x128xf32, #tpu.memory_space<hbm>>
      %dma_start3A_578 = tpu.memref_squeeze %dma_start3A_577 : memref<1x128x128xf32, #tpu.memory_space<hbm>> -> memref<128x128xf32, #tpu.memory_space<hbm>>
      %dma_start3A_579 = arith.constant 0 : i32
      %dma_start3A_580 = tpu.memref_slice %arg5[%add3A_575, %mul3A_2, %dma_start3A_579] : memref<70x4096x128xf32, #tpu.memory_space<hbm>> -> memref<1x128x128xf32, #tpu.memory_space<hbm>>
      %dma_start3A_581 = tpu.memref_squeeze %dma_start3A_580 : memref<1x128x128xf32, #tpu.memory_space<hbm>> -> memref<128x128xf32, #tpu.memory_space<hbm>>
      tpu.enqueue_dma source(%arg10 : memref<128x128xf32, #tpu.memory_space<vmem>>) target(%dma_start3A_581 : memref<128x128xf32, #tpu.memory_space<hbm>>) target_semaphore(%arg20 : memref<!tpu.dma_semaphore, #tpu.memory_space<semaphore_mem>>)
      %dma_wait3A_582 = arith.constant 0 : i32
      %dma_wait3A_583 = arith.constant 0 : i32
      %dma_wait3A_584 = tpu.memref_slice %arg3[%dma_wait3A_582, %dma_wait3A_583] : memref<100000x128xf32, #tpu.memory_space<hbm>> -> memref<128x128xf32, #tpu.memory_space<hbm>>
      %dma_wait3A_585 = arith.constant 0 : i32
      %dma_wait3A_586 = arith.constant 0 : i32
      %dma_wait3A_587 = tpu.memref_slice %arg3[%dma_wait3A_585, %dma_wait3A_586] : memref<100000x128xf32, #tpu.memory_space<hbm>> -> memref<128x128xf32, #tpu.memory_space<hbm>>
      tpu.wait_dma2 semaphore(%arg16 : memref<!tpu.dma_semaphore, #tpu.memory_space<semaphore_mem>>) src(%dma_wait3A_587 : memref<128x128xf32, #tpu.memory_space<hbm>>) dst(%arg11 : memref<128x128xf32, #tpu.memory_space<vmem>>)
      %add3A_588 = arith.constant 3 : i32
      %add3A_589 = arith.addi %add3A_539, %add3A_588 : i32
      %dma_start3A_590 = arith.constant 0 : i32
      %dma_start3A_591 = tpu.memref_slice %arg5[%add3A_589, %mul3A_2, %dma_start3A_590] : memref<70x4096x128xf32, #tpu.memory_space<hbm>> -> memref<1x128x128xf32, #tpu.memory_space<hbm>>
      %dma_start3A_592 = tpu.memref_squeeze %dma_start3A_591 : memref<1x128x128xf32, #tpu.memory_space<hbm>> -> memref<128x128xf32, #tpu.memory_space<hbm>>
      %dma_start3A_593 = arith.constant 0 : i32
      %dma_start3A_594 = tpu.memref_slice %arg5[%add3A_589, %mul3A_2, %dma_start3A_593] : memref<70x4096x128xf32, #tpu.memory_space<hbm>> -> memref<1x128x128xf32, #tpu.memory_space<hbm>>
      %dma_start3A_595 = tpu.memref_squeeze %dma_start3A_594 : memref<1x128x128xf32, #tpu.memory_space<hbm>> -> memref<128x128xf32, #tpu.memory_space<hbm>>
      tpu.enqueue_dma source(%arg11 : memref<128x128xf32, #tpu.memory_space<vmem>>) target(%dma_start3A_595 : memref<128x128xf32, #tpu.memory_space<hbm>>) target_semaphore(%arg21 : memref<!tpu.dma_semaphore, #tpu.memory_space<semaphore_mem>>)
      %dma_wait3A_596 = arith.constant 0 : i32
      %dma_wait3A_597 = arith.constant 0 : i32
      %dma_wait3A_598 = tpu.memref_slice %arg3[%dma_wait3A_596, %dma_wait3A_597] : memref<100000x128xf32, #tpu.memory_space<hbm>> -> memref<128x128xf32, #tpu.memory_space<hbm>>
      %dma_wait3A_599 = arith.constant 0 : i32
      %dma_wait3A_600 = arith.constant 0 : i32
      %dma_wait3A_601 = tpu.memref_slice %arg3[%dma_wait3A_599, %dma_wait3A_600] : memref<100000x128xf32, #tpu.memory_space<hbm>> -> memref<128x128xf32, #tpu.memory_space<hbm>>
      tpu.wait_dma2 semaphore(%arg17 : memref<!tpu.dma_semaphore, #tpu.memory_space<semaphore_mem>>) src(%dma_wait3A_601 : memref<128x128xf32, #tpu.memory_space<hbm>>) dst(%arg12 : memref<128x128xf32, #tpu.memory_space<vmem>>)
      %add3A_602 = arith.constant 4 : i32
      %add3A_603 = arith.addi %add3A_539, %add3A_602 : i32
      %dma_start3A_604 = arith.constant 0 : i32
      %dma_start3A_605 = tpu.memref_slice %arg5[%add3A_603, %mul3A_2, %dma_start3A_604] : memref<70x4096x128xf32, #tpu.memory_space<hbm>> -> memref<1x128x128xf32, #tpu.memory_space<hbm>>
      %dma_start3A_606 = tpu.memref_squeeze %dma_start3A_605 : memref<1x128x128xf32, #tpu.memory_space<hbm>> -> memref<128x128xf32, #tpu.memory_space<hbm>>
      %dma_start3A_607 = arith.constant 0 : i32
      %dma_start3A_608 = tpu.memref_slice %arg5[%add3A_603, %mul3A_2, %dma_start3A_607] : memref<70x4096x128xf32, #tpu.memory_space<hbm>> -> memref<1x128x128xf32, #tpu.memory_space<hbm>>
      %dma_start3A_609 = tpu.memref_squeeze %dma_start3A_608 : memref<1x128x128xf32, #tpu.memory_space<hbm>> -> memref<128x128xf32, #tpu.memory_space<hbm>>
      tpu.enqueue_dma source(%arg12 : memref<128x128xf32, #tpu.memory_space<vmem>>) target(%dma_start3A_609 : memref<128x128xf32, #tpu.memory_space<hbm>>) target_semaphore(%arg22 : memref<!tpu.dma_semaphore, #tpu.memory_space<semaphore_mem>>)
      %dma_wait3A_610 = arith.constant 0 : i32
      %dma_wait3A_611 = arith.constant 0 : i32
      %dma_wait3A_612 = arith.constant 0 : i32
      %dma_wait3A_613 = tpu.memref_slice %arg5[%dma_wait3A_610, %dma_wait3A_611, %dma_wait3A_612] : memref<70x4096x128xf32, #tpu.memory_space<hbm>> -> memref<1x128x128xf32, #tpu.memory_space<hbm>>
      %dma_wait3A_614 = tpu.memref_squeeze %dma_wait3A_613 : memref<1x128x128xf32, #tpu.memory_space<hbm>> -> memref<128x128xf32, #tpu.memory_space<hbm>>
      %dma_wait3A_615 = arith.constant 0 : i32
      %dma_wait3A_616 = arith.constant 0 : i32
      %dma_wait3A_617 = tpu.memref_slice %arg5[%dma_wait3A_610, %dma_wait3A_615, %dma_wait3A_616] : memref<70x4096x128xf32, #tpu.memory_space<hbm>> -> memref<1x128x128xf32, #tpu.memory_space<hbm>>
      %dma_wait3A_618 = tpu.memref_squeeze %dma_wait3A_617 : memref<1x128x128xf32, #tpu.memory_space<hbm>> -> memref<128x128xf32, #tpu.memory_space<hbm>>
      tpu.wait_dma2 semaphore(%arg18 : memref<!tpu.dma_semaphore, #tpu.memory_space<semaphore_mem>>) src(%arg8 : memref<128x128xf32, #tpu.memory_space<vmem>>) dst(%dma_wait3A_618 : memref<128x128xf32, #tpu.memory_space<hbm>>)
      %add3A_619 = arith.constant 5 : i32
      %add3A_620 = arith.addi %add3A_539, %add3A_619 : i32
      %add3A_621 = arith.constant 0 : i32
      %add3A_622 = arith.addi %add3A_620, %add3A_621 : i32
      %sub3A = arith.constant 20 : i32
      %sub3A_623 = arith.subi %add3A_622, %sub3A : i32
      %dma_start3A_624 = arith.constant 0 : i32
      %dma_start3A_625 = tpu.memref_slice %arg6[%sub3A_623, %dma_start3A_624] : memref<50x128xi32, #tpu.memory_space<vmem>> -> memref<1x128xi32, #tpu.memory_space<vmem>>
      %dma_start3A_626 = tpu.memref_squeeze %dma_start3A_625 : memref<1x128xi32, #tpu.memory_space<vmem>> -> memref<128xi32, #tpu.memory_space<vmem>>
      %dma_start3A_627 = arith.constant 0 : i32
      %dma_start3A_628 = arith.constant 0 : i32
      %dma_start3A_629 = tpu.memref_slice %arg3[%dma_start3A_627, %dma_start3A_628] : memref<100000x128xf32, #tpu.memory_space<hbm>> -> memref<100000x128xf32, #tpu.memory_space<hbm>>
      tpu.enqueue_indirect_dma source(%dma_start3A_629 : memref<100000x128xf32, #tpu.memory_space<hbm>>) target(%arg8 : memref<128x128xf32, #tpu.memory_space<vmem>>) offsets(%dma_start3A_626 : memref<128xi32, #tpu.memory_space<vmem>>) semaphore(%arg13 : memref<!tpu.dma_semaphore, #tpu.memory_space<semaphore_mem>>)
      %dma_wait3A_630 = arith.constant 0 : i32
      %dma_wait3A_631 = arith.constant 0 : i32
      %dma_wait3A_632 = arith.constant 0 : i32
      %dma_wait3A_633 = tpu.memref_slice %arg5[%dma_wait3A_630, %dma_wait3A_631, %dma_wait3A_632] : memref<70x4096x128xf32, #tpu.memory_space<hbm>> -> memref<1x128x128xf32, #tpu.memory_space<hbm>>
      %dma_wait3A_634 = tpu.memref_squeeze %dma_wait3A_633 : memref<1x128x128xf32, #tpu.memory_space<hbm>> -> memref<128x128xf32, #tpu.memory_space<hbm>>
      %dma_wait3A_635 = arith.constant 0 : i32
      %dma_wait3A_636 = arith.constant 0 : i32
      %dma_wait3A_637 = tpu.memref_slice %arg5[%dma_wait3A_630, %dma_wait3A_635, %dma_wait3A_636] : memref<70x4096x128xf32, #tpu.memory_space<hbm>> -> memref<1x128x128xf32, #tpu.memory_space<hbm>>
      %dma_wait3A_638 = tpu.memref_squeeze %dma_wait3A_637 : memref<1x128x128xf32, #tpu.memory_space<hbm>> -> memref<128x128xf32, #tpu.memory_space<hbm>>
      tpu.wait_dma2 semaphore(%arg19 : memref<!tpu.dma_semaphore, #tpu.memory_space<semaphore_mem>>) src(%arg9 : memref<128x128xf32, #tpu.memory_space<vmem>>) dst(%dma_wait3A_638 : memref<128x128xf32, #tpu.memory_space<hbm>>)
      %add3A_639 = arith.constant 5 : i32
      %add3A_640 = arith.addi %add3A_539, %add3A_639 : i32
      %add3A_641 = arith.constant 1 : i32
      %add3A_642 = arith.addi %add3A_640, %add3A_641 : i32
      %sub3A_643 = arith.constant 20 : i32
      %sub3A_644 = arith.subi %add3A_642, %sub3A_643 : i32
      %dma_start3A_645 = arith.constant 0 : i32
      %dma_start3A_646 = tpu.memref_slice %arg6[%sub3A_644, %dma_start3A_645] : memref<50x128xi32, #tpu.memory_space<vmem>> -> memref<1x128xi32, #tpu.memory_space<vmem>>
      %dma_start3A_647 = tpu.memref_squeeze %dma_start3A_646 : memref<1x128xi32, #tpu.memory_space<vmem>> -> memref<128xi32, #tpu.memory_space<vmem>>
      %dma_start3A_648 = arith.constant 0 : i32
      %dma_start3A_649 = arith.constant 0 : i32
      %dma_start3A_650 = tpu.memref_slice %arg3[%dma_start3A_648, %dma_start3A_649] : memref<100000x128xf32, #tpu.memory_space<hbm>> -> memref<100000x128xf32, #tpu.memory_space<hbm>>
      tpu.enqueue_indirect_dma source(%dma_start3A_650 : memref<100000x128xf32, #tpu.memory_space<hbm>>) target(%arg9 : memref<128x128xf32, #tpu.memory_space<vmem>>) offsets(%dma_start3A_647 : memref<128xi32, #tpu.memory_space<vmem>>) semaphore(%arg14 : memref<!tpu.dma_semaphore, #tpu.memory_space<semaphore_mem>>)
      %dma_wait3A_651 = arith.constant 0 : i32
      %dma_wait3A_652 = arith.constant 0 : i32
      %dma_wait3A_653 = arith.constant 0 : i32
      %dma_wait3A_654 = tpu.memref_slice %arg5[%dma_wait3A_651, %dma_wait3A_652, %dma_wait3A_653] : memref<70x4096x128xf32, #tpu.memory_space<hbm>> -> memref<1x128x128xf32, #tpu.memory_space<hbm>>
      %dma_wait3A_655 = tpu.memref_squeeze %dma_wait3A_654 : memref<1x128x128xf32, #tpu.memory_space<hbm>> -> memref<128x128xf32, #tpu.memory_space<hbm>>
      %dma_wait3A_656 = arith.constant 0 : i32
      %dma_wait3A_657 = arith.constant 0 : i32
      %dma_wait3A_658 = tpu.memref_slice %arg5[%dma_wait3A_651, %dma_wait3A_656, %dma_wait3A_657] : memref<70x4096x128xf32, #tpu.memory_space<hbm>> -> memref<1x128x128xf32, #tpu.memory_space<hbm>>
      %dma_wait3A_659 = tpu.memref_squeeze %dma_wait3A_658 : memref<1x128x128xf32, #tpu.memory_space<hbm>> -> memref<128x128xf32, #tpu.memory_space<hbm>>
      tpu.wait_dma2 semaphore(%arg20 : memref<!tpu.dma_semaphore, #tpu.memory_space<semaphore_mem>>) src(%arg10 : memref<128x128xf32, #tpu.memory_space<vmem>>) dst(%dma_wait3A_659 : memref<128x128xf32, #tpu.memory_space<hbm>>)
      %add3A_660 = arith.constant 5 : i32
      %add3A_661 = arith.addi %add3A_539, %add3A_660 : i32
      %add3A_662 = arith.constant 2 : i32
      %add3A_663 = arith.addi %add3A_661, %add3A_662 : i32
      %sub3A_664 = arith.constant 20 : i32
      %sub3A_665 = arith.subi %add3A_663, %sub3A_664 : i32
      %dma_start3A_666 = arith.constant 0 : i32
      %dma_start3A_667 = tpu.memref_slice %arg6[%sub3A_665, %dma_start3A_666] : memref<50x128xi32, #tpu.memory_space<vmem>> -> memref<1x128xi32, #tpu.memory_space<vmem>>
      %dma_start3A_668 = tpu.memref_squeeze %dma_start3A_667 : memref<1x128xi32, #tpu.memory_space<vmem>> -> memref<128xi32, #tpu.memory_space<vmem>>
      %dma_start3A_669 = arith.constant 0 : i32
      %dma_start3A_670 = arith.constant 0 : i32
      %dma_start3A_671 = tpu.memref_slice %arg3[%dma_start3A_669, %dma_start3A_670] : memref<100000x128xf32, #tpu.memory_space<hbm>> -> memref<100000x128xf32, #tpu.memory_space<hbm>>
      tpu.enqueue_indirect_dma source(%dma_start3A_671 : memref<100000x128xf32, #tpu.memory_space<hbm>>) target(%arg10 : memref<128x128xf32, #tpu.memory_space<vmem>>) offsets(%dma_start3A_668 : memref<128xi32, #tpu.memory_space<vmem>>) semaphore(%arg15 : memref<!tpu.dma_semaphore, #tpu.memory_space<semaphore_mem>>)
      %dma_wait3A_672 = arith.constant 0 : i32
      %dma_wait3A_673 = arith.constant 0 : i32
      %dma_wait3A_674 = arith.constant 0 : i32
      %dma_wait3A_675 = tpu.memref_slice %arg5[%dma_wait3A_672, %dma_wait3A_673, %dma_wait3A_674] : memref<70x4096x128xf32, #tpu.memory_space<hbm>> -> memref<1x128x128xf32, #tpu.memory_space<hbm>>
      %dma_wait3A_676 = tpu.memref_squeeze %dma_wait3A_675 : memref<1x128x128xf32, #tpu.memory_space<hbm>> -> memref<128x128xf32, #tpu.memory_space<hbm>>
      %dma_wait3A_677 = arith.constant 0 : i32
      %dma_wait3A_678 = arith.constant 0 : i32
      %dma_wait3A_679 = tpu.memref_slice %arg5[%dma_wait3A_672, %dma_wait3A_677, %dma_wait3A_678] : memref<70x4096x128xf32, #tpu.memory_space<hbm>> -> memref<1x128x128xf32, #tpu.memory_space<hbm>>
      %dma_wait3A_680 = tpu.memref_squeeze %dma_wait3A_679 : memref<1x128x128xf32, #tpu.memory_space<hbm>> -> memref<128x128xf32, #tpu.memory_space<hbm>>
      tpu.wait_dma2 semaphore(%arg21 : memref<!tpu.dma_semaphore, #tpu.memory_space<semaphore_mem>>) src(%arg11 : memref<128x128xf32, #tpu.memory_space<vmem>>) dst(%dma_wait3A_680 : memref<128x128xf32, #tpu.memory_space<hbm>>)
      %add3A_681 = arith.constant 5 : i32
      %add3A_682 = arith.addi %add3A_539, %add3A_681 : i32
      %add3A_683 = arith.constant 3 : i32
      %add3A_684 = arith.addi %add3A_682, %add3A_683 : i32
      %sub3A_685 = arith.constant 20 : i32
      %sub3A_686 = arith.subi %add3A_684, %sub3A_685 : i32
      %dma_start3A_687 = arith.constant 0 : i32
      %dma_start3A_688 = tpu.memref_slice %arg6[%sub3A_686, %dma_start3A_687] : memref<50x128xi32, #tpu.memory_space<vmem>> -> memref<1x128xi32, #tpu.memory_space<vmem>>
      %dma_start3A_689 = tpu.memref_squeeze %dma_start3A_688 : memref<1x128xi32, #tpu.memory_space<vmem>> -> memref<128xi32, #tpu.memory_space<vmem>>
      %dma_start3A_690 = arith.constant 0 : i32
      %dma_start3A_691 = arith.constant 0 : i32
      %dma_start3A_692 = tpu.memref_slice %arg3[%dma_start3A_690, %dma_start3A_691] : memref<100000x128xf32, #tpu.memory_space<hbm>> -> memref<100000x128xf32, #tpu.memory_space<hbm>>
      tpu.enqueue_indirect_dma source(%dma_start3A_692 : memref<100000x128xf32, #tpu.memory_space<hbm>>) target(%arg11 : memref<128x128xf32, #tpu.memory_space<vmem>>) offsets(%dma_start3A_689 : memref<128xi32, #tpu.memory_space<vmem>>) semaphore(%arg16 : memref<!tpu.dma_semaphore, #tpu.memory_space<semaphore_mem>>)
      %dma_wait3A_693 = arith.constant 0 : i32
      %dma_wait3A_694 = arith.constant 0 : i32
      %dma_wait3A_695 = arith.constant 0 : i32
      %dma_wait3A_696 = tpu.memref_slice %arg5[%dma_wait3A_693, %dma_wait3A_694, %dma_wait3A_695] : memref<70x4096x128xf32, #tpu.memory_space<hbm>> -> memref<1x128x128xf32, #tpu.memory_space<hbm>>
      %dma_wait3A_697 = tpu.memref_squeeze %dma_wait3A_696 : memref<1x128x128xf32, #tpu.memory_space<hbm>> -> memref<128x128xf32, #tpu.memory_space<hbm>>
      %dma_wait3A_698 = arith.constant 0 : i32
      %dma_wait3A_699 = arith.constant 0 : i32
      %dma_wait3A_700 = tpu.memref_slice %arg5[%dma_wait3A_693, %dma_wait3A_698, %dma_wait3A_699] : memref<70x4096x128xf32, #tpu.memory_space<hbm>> -> memref<1x128x128xf32, #tpu.memory_space<hbm>>
      %dma_wait3A_701 = tpu.memref_squeeze %dma_wait3A_700 : memref<1x128x128xf32, #tpu.memory_space<hbm>> -> memref<128x128xf32, #tpu.memory_space<hbm>>
      tpu.wait_dma2 semaphore(%arg22 : memref<!tpu.dma_semaphore, #tpu.memory_space<semaphore_mem>>) src(%arg12 : memref<128x128xf32, #tpu.memory_space<vmem>>) dst(%dma_wait3A_701 : memref<128x128xf32, #tpu.memory_space<hbm>>)
      %add3A_702 = arith.constant 5 : i32
      %add3A_703 = arith.addi %add3A_539, %add3A_702 : i32
      %add3A_704 = arith.constant 4 : i32
      %add3A_705 = arith.addi %add3A_703, %add3A_704 : i32
      %sub3A_706 = arith.constant 20 : i32
      %sub3A_707 = arith.subi %add3A_705, %sub3A_706 : i32
      %dma_start3A_708 = arith.constant 0 : i32
      %dma_start3A_709 = tpu.memref_slice %arg6[%sub3A_707, %dma_start3A_708] : memref<50x128xi32, #tpu.memory_space<vmem>> -> memref<1x128xi32, #tpu.memory_space<vmem>>
      %dma_start3A_710 = tpu.memref_squeeze %dma_start3A_709 : memref<1x128xi32, #tpu.memory_space<vmem>> -> memref<128xi32, #tpu.memory_space<vmem>>
      %dma_start3A_711 = arith.constant 0 : i32
      %dma_start3A_712 = arith.constant 0 : i32
      %dma_start3A_713 = tpu.memref_slice %arg3[%dma_start3A_711, %dma_start3A_712] : memref<100000x128xf32, #tpu.memory_space<hbm>> -> memref<100000x128xf32, #tpu.memory_space<hbm>>
      tpu.enqueue_indirect_dma source(%dma_start3A_713 : memref<100000x128xf32, #tpu.memory_space<hbm>>) target(%arg12 : memref<128x128xf32, #tpu.memory_space<vmem>>) offsets(%dma_start3A_710 : memref<128xi32, #tpu.memory_space<vmem>>) semaphore(%arg17 : memref<!tpu.dma_semaphore, #tpu.memory_space<semaphore_mem>>)
    }
    %scan3A_360 = arith.constant 9 : i32
    %dma_wait3A_361 = arith.constant 0 : i32
    %dma_wait3A_362 = arith.constant 0 : i32
    %dma_wait3A_363 = tpu.memref_slice %arg3[%dma_wait3A_361, %dma_wait3A_362] : memref<100000x128xf32, #tpu.memory_space<hbm>> -> memref<128x128xf32, #tpu.memory_space<hbm>>
    %dma_wait3A_364 = arith.constant 0 : i32
    %dma_wait3A_365 = arith.constant 0 : i32
    %dma_wait3A_366 = tpu.memref_slice %arg3[%dma_wait3A_364, %dma_wait3A_365] : memref<100000x128xf32, #tpu.memory_space<hbm>> -> memref<128x128xf32, #tpu.memory_space<hbm>>
    tpu.wait_dma2 semaphore(%arg13 : memref<!tpu.dma_semaphore, #tpu.memory_space<semaphore_mem>>) src(%dma_wait3A_366 : memref<128x128xf32, #tpu.memory_space<hbm>>) dst(%arg8 : memref<128x128xf32, #tpu.memory_space<vmem>>)
    %dma_start3A_367 = arith.constant 65 : i32
    %dma_start3A_368 = arith.constant 0 : i32
    %dma_start3A_369 = tpu.memref_slice %arg5[%dma_start3A_367, %mul3A_2, %dma_start3A_368] : memref<70x4096x128xf32, #tpu.memory_space<hbm>> -> memref<1x128x128xf32, #tpu.memory_space<hbm>>
    %dma_start3A_370 = tpu.memref_squeeze %dma_start3A_369 : memref<1x128x128xf32, #tpu.memory_space<hbm>> -> memref<128x128xf32, #tpu.memory_space<hbm>>
    %dma_start3A_371 = arith.constant 0 : i32
    %dma_start3A_372 = tpu.memref_slice %arg5[%dma_start3A_367, %mul3A_2, %dma_start3A_371] : memref<70x4096x128xf32, #tpu.memory_space<hbm>> -> memref<1x128x128xf32, #tpu.memory_space<hbm>>
    %dma_start3A_373 = tpu.memref_squeeze %dma_start3A_372 : memref<1x128x128xf32, #tpu.memory_space<hbm>> -> memref<128x128xf32, #tpu.memory_space<hbm>>
    tpu.enqueue_dma source(%arg8 : memref<128x128xf32, #tpu.memory_space<vmem>>) target(%dma_start3A_373 : memref<128x128xf32, #tpu.memory_space<hbm>>) target_semaphore(%arg18 : memref<!tpu.dma_semaphore, #tpu.memory_space<semaphore_mem>>)
    %dma_wait3A_374 = arith.constant 0 : i32
    %dma_wait3A_375 = arith.constant 0 : i32
    %dma_wait3A_376 = tpu.memref_slice %arg3[%dma_wait3A_374, %dma_wait3A_375] : memref<100000x128xf32, #tpu.memory_space<hbm>> -> memref<128x128xf32, #tpu.memory_space<hbm>>
    %dma_wait3A_377 = arith.constant 0 : i32
    %dma_wait3A_378 = arith.constant 0 : i32
    %dma_wait3A_379 = tpu.memref_slice %arg3[%dma_wait3A_377, %dma_wait3A_378] : memref<100000x128xf32, #tpu.memory_space<hbm>> -> memref<128x128xf32, #tpu.memory_space<hbm>>
    tpu.wait_dma2 semaphore(%arg14 : memref<!tpu.dma_semaphore, #tpu.memory_space<semaphore_mem>>) src(%dma_wait3A_379 : memref<128x128xf32, #tpu.memory_space<hbm>>) dst(%arg9 : memref<128x128xf32, #tpu.memory_space<vmem>>)
    %dma_start3A_380 = arith.constant 66 : i32
    %dma_start3A_381 = arith.constant 0 : i32
    %dma_start3A_382 = tpu.memref_slice %arg5[%dma_start3A_380, %mul3A_2, %dma_start3A_381] : memref<70x4096x128xf32, #tpu.memory_space<hbm>> -> memref<1x128x128xf32, #tpu.memory_space<hbm>>
    %dma_start3A_383 = tpu.memref_squeeze %dma_start3A_382 : memref<1x128x128xf32, #tpu.memory_space<hbm>> -> memref<128x128xf32, #tpu.memory_space<hbm>>
    %dma_start3A_384 = arith.constant 0 : i32
    %dma_start3A_385 = tpu.memref_slice %arg5[%dma_start3A_380, %mul3A_2, %dma_start3A_384] : memref<70x4096x128xf32, #tpu.memory_space<hbm>> -> memref<1x128x128xf32, #tpu.memory_space<hbm>>
    %dma_start3A_386 = tpu.memref_squeeze %dma_start3A_385 : memref<1x128x128xf32, #tpu.memory_space<hbm>> -> memref<128x128xf32, #tpu.memory_space<hbm>>
    tpu.enqueue_dma source(%arg9 : memref<128x128xf32, #tpu.memory_space<vmem>>) target(%dma_start3A_386 : memref<128x128xf32, #tpu.memory_space<hbm>>) target_semaphore(%arg19 : memref<!tpu.dma_semaphore, #tpu.memory_space<semaphore_mem>>)
    %dma_wait3A_387 = arith.constant 0 : i32
    %dma_wait3A_388 = arith.constant 0 : i32
    %dma_wait3A_389 = tpu.memref_slice %arg3[%dma_wait3A_387, %dma_wait3A_388] : memref<100000x128xf32, #tpu.memory_space<hbm>> -> memref<128x128xf32, #tpu.memory_space<hbm>>
    %dma_wait3A_390 = arith.constant 0 : i32
    %dma_wait3A_391 = arith.constant 0 : i32
    %dma_wait3A_392 = tpu.memref_slice %arg3[%dma_wait3A_390, %dma_wait3A_391] : memref<100000x128xf32, #tpu.memory_space<hbm>> -> memref<128x128xf32, #tpu.memory_space<hbm>>
    tpu.wait_dma2 semaphore(%arg15 : memref<!tpu.dma_semaphore, #tpu.memory_space<semaphore_mem>>) src(%dma_wait3A_392 : memref<128x128xf32, #tpu.memory_space<hbm>>) dst(%arg10 : memref<128x128xf32, #tpu.memory_space<vmem>>)
    %dma_start3A_393 = arith.constant 67 : i32
    %dma_start3A_394 = arith.constant 0 : i32
    %dma_start3A_395 = tpu.memref_slice %arg5[%dma_start3A_393, %mul3A_2, %dma_start3A_394] : memref<70x4096x128xf32, #tpu.memory_space<hbm>> -> memref<1x128x128xf32, #tpu.memory_space<hbm>>
    %dma_start3A_396 = tpu.memref_squeeze %dma_start3A_395 : memref<1x128x128xf32, #tpu.memory_space<hbm>> -> memref<128x128xf32, #tpu.memory_space<hbm>>
    %dma_start3A_397 = arith.constant 0 : i32
    %dma_start3A_398 = tpu.memref_slice %arg5[%dma_start3A_393, %mul3A_2, %dma_start3A_397] : memref<70x4096x128xf32, #tpu.memory_space<hbm>> -> memref<1x128x128xf32, #tpu.memory_space<hbm>>
    %dma_start3A_399 = tpu.memref_squeeze %dma_start3A_398 : memref<1x128x128xf32, #tpu.memory_space<hbm>> -> memref<128x128xf32, #tpu.memory_space<hbm>>
    tpu.enqueue_dma source(%arg10 : memref<128x128xf32, #tpu.memory_space<vmem>>) target(%dma_start3A_399 : memref<128x128xf32, #tpu.memory_space<hbm>>) target_semaphore(%arg20 : memref<!tpu.dma_semaphore, #tpu.memory_space<semaphore_mem>>)
    %dma_wait3A_400 = arith.constant 0 : i32
    %dma_wait3A_401 = arith.constant 0 : i32
    %dma_wait3A_402 = tpu.memref_slice %arg3[%dma_wait3A_400, %dma_wait3A_401] : memref<100000x128xf32, #tpu.memory_space<hbm>> -> memref<128x128xf32, #tpu.memory_space<hbm>>
    %dma_wait3A_403 = arith.constant 0 : i32
    %dma_wait3A_404 = arith.constant 0 : i32
    %dma_wait3A_405 = tpu.memref_slice %arg3[%dma_wait3A_403, %dma_wait3A_404] : memref<100000x128xf32, #tpu.memory_space<hbm>> -> memref<128x128xf32, #tpu.memory_space<hbm>>
    tpu.wait_dma2 semaphore(%arg16 : memref<!tpu.dma_semaphore, #tpu.memory_space<semaphore_mem>>) src(%dma_wait3A_405 : memref<128x128xf32, #tpu.memory_space<hbm>>) dst(%arg11 : memref<128x128xf32, #tpu.memory_space<vmem>>)
    %dma_start3A_406 = arith.constant 68 : i32
    %dma_start3A_407 = arith.constant 0 : i32
    %dma_start3A_408 = tpu.memref_slice %arg5[%dma_start3A_406, %mul3A_2, %dma_start3A_407] : memref<70x4096x128xf32, #tpu.memory_space<hbm>> -> memref<1x128x128xf32, #tpu.memory_space<hbm>>
    %dma_start3A_409 = tpu.memref_squeeze %dma_start3A_408 : memref<1x128x128xf32, #tpu.memory_space<hbm>> -> memref<128x128xf32, #tpu.memory_space<hbm>>
    %dma_start3A_410 = arith.constant 0 : i32
    %dma_start3A_411 = tpu.memref_slice %arg5[%dma_start3A_406, %mul3A_2, %dma_start3A_410] : memref<70x4096x128xf32, #tpu.memory_space<hbm>> -> memref<1x128x128xf32, #tpu.memory_space<hbm>>
    %dma_start3A_412 = tpu.memref_squeeze %dma_start3A_411 : memref<1x128x128xf32, #tpu.memory_space<hbm>> -> memref<128x128xf32, #tpu.memory_space<hbm>>
    tpu.enqueue_dma source(%arg11 : memref<128x128xf32, #tpu.memory_space<vmem>>) target(%dma_start3A_412 : memref<128x128xf32, #tpu.memory_space<hbm>>) target_semaphore(%arg21 : memref<!tpu.dma_semaphore, #tpu.memory_space<semaphore_mem>>)
    %dma_wait3A_413 = arith.constant 0 : i32
    %dma_wait3A_414 = arith.constant 0 : i32
    %dma_wait3A_415 = tpu.memref_slice %arg3[%dma_wait3A_413, %dma_wait3A_414] : memref<100000x128xf32, #tpu.memory_space<hbm>> -> memref<128x128xf32, #tpu.memory_space<hbm>>
    %dma_wait3A_416 = arith.constant 0 : i32
    %dma_wait3A_417 = arith.constant 0 : i32
    %dma_wait3A_418 = tpu.memref_slice %arg3[%dma_wait3A_416, %dma_wait3A_417] : memref<100000x128xf32, #tpu.memory_space<hbm>> -> memref<128x128xf32, #tpu.memory_space<hbm>>
    tpu.wait_dma2 semaphore(%arg17 : memref<!tpu.dma_semaphore, #tpu.memory_space<semaphore_mem>>) src(%dma_wait3A_418 : memref<128x128xf32, #tpu.memory_space<hbm>>) dst(%arg12 : memref<128x128xf32, #tpu.memory_space<vmem>>)
    %dma_start3A_419 = arith.constant 69 : i32
    %dma_start3A_420 = arith.constant 0 : i32
    %dma_start3A_421 = tpu.memref_slice %arg5[%dma_start3A_419, %mul3A_2, %dma_start3A_420] : memref<70x4096x128xf32, #tpu.memory_space<hbm>> -> memref<1x128x128xf32, #tpu.memory_space<hbm>>
    %dma_start3A_422 = tpu.memref_squeeze %dma_start3A_421 : memref<1x128x128xf32, #tpu.memory_space<hbm>> -> memref<128x128xf32, #tpu.memory_space<hbm>>
    %dma_start3A_423 = arith.constant 0 : i32
    %dma_start3A_424 = tpu.memref_slice %arg5[%dma_start3A_419, %mul3A_2, %dma_start3A_423] : memref<70x4096x128xf32, #tpu.memory_space<hbm>> -> memref<1x128x128xf32, #tpu.memory_space<hbm>>
    %dma_start3A_425 = tpu.memref_squeeze %dma_start3A_424 : memref<1x128x128xf32, #tpu.memory_space<hbm>> -> memref<128x128xf32, #tpu.memory_space<hbm>>
    tpu.enqueue_dma source(%arg12 : memref<128x128xf32, #tpu.memory_space<vmem>>) target(%dma_start3A_425 : memref<128x128xf32, #tpu.memory_space<hbm>>) target_semaphore(%arg22 : memref<!tpu.dma_semaphore, #tpu.memory_space<semaphore_mem>>)
    %dma_wait3A_426 = arith.constant 0 : i32
    %dma_wait3A_427 = arith.constant 0 : i32
    %dma_wait3A_428 = arith.constant 0 : i32
    %dma_wait3A_429 = tpu.memref_slice %arg5[%dma_wait3A_426, %dma_wait3A_427, %dma_wait3A_428] : memref<70x4096x128xf32, #tpu.memory_space<hbm>> -> memref<1x128x128xf32, #tpu.memory_space<hbm>>
    %dma_wait3A_430 = tpu.memref_squeeze %dma_wait3A_429 : memref<1x128x128xf32, #tpu.memory_space<hbm>> -> memref<128x128xf32, #tpu.memory_space<hbm>>
    %dma_wait3A_431 = arith.constant 0 : i32
    %dma_wait3A_432 = arith.constant 0 : i32
    %dma_wait3A_433 = tpu.memref_slice %arg5[%dma_wait3A_426, %dma_wait3A_431, %dma_wait3A_432] : memref<70x4096x128xf32, #tpu.memory_space<hbm>> -> memref<1x128x128xf32, #tpu.memory_space<hbm>>
    %dma_wait3A_434 = tpu.memref_squeeze %dma_wait3A_433 : memref<1x128x128xf32, #tpu.memory_space<hbm>> -> memref<128x128xf32, #tpu.memory_space<hbm>>
    tpu.wait_dma2 semaphore(%arg18 : memref<!tpu.dma_semaphore, #tpu.memory_space<semaphore_mem>>) src(%arg8 : memref<128x128xf32, #tpu.memory_space<vmem>>) dst(%dma_wait3A_434 : memref<128x128xf32, #tpu.memory_space<hbm>>)
    %dma_wait3A_435 = arith.constant 0 : i32
    %dma_wait3A_436 = arith.constant 0 : i32
    %dma_wait3A_437 = arith.constant 0 : i32
    %dma_wait3A_438 = tpu.memref_slice %arg5[%dma_wait3A_435, %dma_wait3A_436, %dma_wait3A_437] : memref<70x4096x128xf32, #tpu.memory_space<hbm>> -> memref<1x128x128xf32, #tpu.memory_space<hbm>>
    %dma_wait3A_439 = tpu.memref_squeeze %dma_wait3A_438 : memref<1x128x128xf32, #tpu.memory_space<hbm>> -> memref<128x128xf32, #tpu.memory_space<hbm>>
    %dma_wait3A_440 = arith.constant 0 : i32
    %dma_wait3A_441 = arith.constant 0 : i32
    %dma_wait3A_442 = tpu.memref_slice %arg5[%dma_wait3A_435, %dma_wait3A_440, %dma_wait3A_441] : memref<70x4096x128xf32, #tpu.memory_space<hbm>> -> memref<1x128x128xf32, #tpu.memory_space<hbm>>
    %dma_wait3A_443 = tpu.memref_squeeze %dma_wait3A_442 : memref<1x128x128xf32, #tpu.memory_space<hbm>> -> memref<128x128xf32, #tpu.memory_space<hbm>>
    tpu.wait_dma2 semaphore(%arg19 : memref<!tpu.dma_semaphore, #tpu.memory_space<semaphore_mem>>) src(%arg9 : memref<128x128xf32, #tpu.memory_space<vmem>>) dst(%dma_wait3A_443 : memref<128x128xf32, #tpu.memory_space<hbm>>)
    %dma_wait3A_444 = arith.constant 0 : i32
    %dma_wait3A_445 = arith.constant 0 : i32
    %dma_wait3A_446 = arith.constant 0 : i32
    %dma_wait3A_447 = tpu.memref_slice %arg5[%dma_wait3A_444, %dma_wait3A_445, %dma_wait3A_446] : memref<70x4096x128xf32, #tpu.memory_space<hbm>> -> memref<1x128x128xf32, #tpu.memory_space<hbm>>
    %dma_wait3A_448 = tpu.memref_squeeze %dma_wait3A_447 : memref<1x128x128xf32, #tpu.memory_space<hbm>> -> memref<128x128xf32, #tpu.memory_space<hbm>>
    %dma_wait3A_449 = arith.constant 0 : i32
    %dma_wait3A_450 = arith.constant 0 : i32
    %dma_wait3A_451 = tpu.memref_slice %arg5[%dma_wait3A_444, %dma_wait3A_449, %dma_wait3A_450] : memref<70x4096x128xf32, #tpu.memory_space<hbm>> -> memref<1x128x128xf32, #tpu.memory_space<hbm>>
    %dma_wait3A_452 = tpu.memref_squeeze %dma_wait3A_451 : memref<1x128x128xf32, #tpu.memory_space<hbm>> -> memref<128x128xf32, #tpu.memory_space<hbm>>
    tpu.wait_dma2 semaphore(%arg20 : memref<!tpu.dma_semaphore, #tpu.memory_space<semaphore_mem>>) src(%arg10 : memref<128x128xf32, #tpu.memory_space<vmem>>) dst(%dma_wait3A_452 : memref<128x128xf32, #tpu.memory_space<hbm>>)
    %dma_wait3A_453 = arith.constant 0 : i32
    %dma_wait3A_454 = arith.constant 0 : i32
    %dma_wait3A_455 = arith.constant 0 : i32
    %dma_wait3A_456 = tpu.memref_slice %arg5[%dma_wait3A_453, %dma_wait3A_454, %dma_wait3A_455] : memref<70x4096x128xf32, #tpu.memory_space<hbm>> -> memref<1x128x128xf32, #tpu.memory_space<hbm>>
    %dma_wait3A_457 = tpu.memref_squeeze %dma_wait3A_456 : memref<1x128x128xf32, #tpu.memory_space<hbm>> -> memref<128x128xf32, #tpu.memory_space<hbm>>
    %dma_wait3A_458 = arith.constant 0 : i32
    %dma_wait3A_459 = arith.constant 0 : i32
    %dma_wait3A_460 = tpu.memref_slice %arg5[%dma_wait3A_453, %dma_wait3A_458, %dma_wait3A_459] : memref<70x4096x128xf32, #tpu.memory_space<hbm>> -> memref<1x128x128xf32, #tpu.memory_space<hbm>>
    %dma_wait3A_461 = tpu.memref_squeeze %dma_wait3A_460 : memref<1x128x128xf32, #tpu.memory_space<hbm>> -> memref<128x128xf32, #tpu.memory_space<hbm>>
    tpu.wait_dma2 semaphore(%arg21 : memref<!tpu.dma_semaphore, #tpu.memory_space<semaphore_mem>>) src(%arg11 : memref<128x128xf32, #tpu.memory_space<vmem>>) dst(%dma_wait3A_461 : memref<128x128xf32, #tpu.memory_space<hbm>>)
    %dma_wait3A_462 = arith.constant 0 : i32
    %dma_wait3A_463 = arith.constant 0 : i32
    %dma_wait3A_464 = arith.constant 0 : i32
    %dma_wait3A_465 = tpu.memref_slice %arg5[%dma_wait3A_462, %dma_wait3A_463, %dma_wait3A_464] : memref<70x4096x128xf32, #tpu.memory_space<hbm>> -> memref<1x128x128xf32, #tpu.memory_space<hbm>>
    %dma_wait3A_466 = tpu.memref_squeeze %dma_wait3A_465 : memref<1x128x128xf32, #tpu.memory_space<hbm>> -> memref<128x128xf32, #tpu.memory_space<hbm>>
    %dma_wait3A_467 = arith.constant 0 : i32
    %dma_wait3A_468 = arith.constant 0 : i32
    %dma_wait3A_469 = tpu.memref_slice %arg5[%dma_wait3A_462, %dma_wait3A_467, %dma_wait3A_468] : memref<70x4096x128xf32, #tpu.memory_space<hbm>> -> memref<1x128x128xf32, #tpu.memory_space<hbm>>
    %dma_wait3A_470 = tpu.memref_squeeze %dma_wait3A_469 : memref<1x128x128xf32, #tpu.memory_space<hbm>> -> memref<128x128xf32, #tpu.memory_space<hbm>>
    tpu.wait_dma2 semaphore(%arg22 : memref<!tpu.dma_semaphore, #tpu.memory_space<semaphore_mem>>) src(%arg12 : memref<128x128xf32, #tpu.memory_space<vmem>>) dst(%dma_wait3A_470 : memref<128x128xf32, #tpu.memory_space<hbm>>)
    %dma_wait3A_471 = arith.constant 0 : i32
    %dma_wait3A_472 = arith.constant 0 : i32
    %dma_wait3A_473 = arith.constant 0 : i32
    %dma_wait3A_474 = tpu.memref_slice %arg5[%dma_wait3A_471, %dma_wait3A_472, %dma_wait3A_473] : memref<70x4096x128xf32, #tpu.memory_space<hbm>> -> memref<20x16x128xf32, #tpu.memory_space<hbm>>
    %dma_wait3A_475 = arith.constant 0 : i32
    %dma_wait3A_476 = arith.constant 0 : i32
    %dma_wait3A_477 = arith.constant 0 : i32
    %dma_wait3A_478 = tpu.memref_slice %arg5[%dma_wait3A_475, %dma_wait3A_476, %dma_wait3A_477] : memref<70x4096x128xf32, #tpu.memory_space<hbm>> -> memref<20x16x128xf32, #tpu.memory_space<hbm>>
    tpu.wait_dma2 semaphore(%arg23 : memref<!tpu.dma_semaphore, #tpu.memory_space<semaphore_mem>>) src(%arg7 : memref<20x16x128xf32, #tpu.memory_space<vmem>>) dst(%dma_wait3A_478 : memref<20x16x128xf32, #tpu.memory_space<hbm>>)
    %dma_wait3A_479 = arith.constant 0 : i32
    %dma_wait3A_480 = arith.constant 0 : i32
    %dma_wait3A_481 = arith.constant 0 : i32
    %dma_wait3A_482 = tpu.memref_slice %arg5[%dma_wait3A_479, %dma_wait3A_480, %dma_wait3A_481] : memref<70x4096x128xf32, #tpu.memory_space<hbm>> -> memref<20x16x128xf32, #tpu.memory_space<hbm>>
    %dma_wait3A_483 = arith.constant 0 : i32
    %dma_wait3A_484 = arith.constant 0 : i32
    %dma_wait3A_485 = arith.constant 0 : i32
    %dma_wait3A_486 = tpu.memref_slice %arg5[%dma_wait3A_483, %dma_wait3A_484, %dma_wait3A_485] : memref<70x4096x128xf32, #tpu.memory_space<hbm>> -> memref<20x16x128xf32, #tpu.memory_space<hbm>>
    tpu.wait_dma2 semaphore(%arg23 : memref<!tpu.dma_semaphore, #tpu.memory_space<semaphore_mem>>) src(%arg7 : memref<20x16x128xf32, #tpu.memory_space<vmem>>) dst(%dma_wait3A_486 : memref<20x16x128xf32, #tpu.memory_space<hbm>>)
    %dma_wait3A_487 = arith.constant 0 : i32
    %dma_wait3A_488 = arith.constant 0 : i32
    %dma_wait3A_489 = arith.constant 0 : i32
    %dma_wait3A_490 = tpu.memref_slice %arg5[%dma_wait3A_487, %dma_wait3A_488, %dma_wait3A_489] : memref<70x4096x128xf32, #tpu.memory_space<hbm>> -> memref<20x16x128xf32, #tpu.memory_space<hbm>>
    %dma_wait3A_491 = arith.constant 0 : i32
    %dma_wait3A_492 = arith.constant 0 : i32
    %dma_wait3A_493 = arith.constant 0 : i32
    %dma_wait3A_494 = tpu.memref_slice %arg5[%dma_wait3A_491, %dma_wait3A_492, %dma_wait3A_493] : memref<70x4096x128xf32, #tpu.memory_space<hbm>> -> memref<20x16x128xf32, #tpu.memory_space<hbm>>
    tpu.wait_dma2 semaphore(%arg23 : memref<!tpu.dma_semaphore, #tpu.memory_space<semaphore_mem>>) src(%arg7 : memref<20x16x128xf32, #tpu.memory_space<vmem>>) dst(%dma_wait3A_494 : memref<20x16x128xf32, #tpu.memory_space<hbm>>)
    %dma_wait3A_495 = arith.constant 0 : i32
    %dma_wait3A_496 = arith.constant 0 : i32
    %dma_wait3A_497 = arith.constant 0 : i32
    %dma_wait3A_498 = tpu.memref_slice %arg5[%dma_wait3A_495, %dma_wait3A_496, %dma_wait3A_497] : memref<70x4096x128xf32, #tpu.memory_space<hbm>> -> memref<20x16x128xf32, #tpu.memory_space<hbm>>
    %dma_wait3A_499 = arith.constant 0 : i32
    %dma_wait3A_500 = arith.constant 0 : i32
    %dma_wait3A_501 = arith.constant 0 : i32
    %dma_wait3A_502 = tpu.memref_slice %arg5[%dma_wait3A_499, %dma_wait3A_500, %dma_wait3A_501] : memref<70x4096x128xf32, #tpu.memory_space<hbm>> -> memref<20x16x128xf32, #tpu.memory_space<hbm>>
    tpu.wait_dma2 semaphore(%arg23 : memref<!tpu.dma_semaphore, #tpu.memory_space<semaphore_mem>>) src(%arg7 : memref<20x16x128xf32, #tpu.memory_space<vmem>>) dst(%dma_wait3A_502 : memref<20x16x128xf32, #tpu.memory_space<hbm>>)
    %dma_wait3A_503 = arith.constant 0 : i32
    %dma_wait3A_504 = arith.constant 0 : i32
    %dma_wait3A_505 = arith.constant 0 : i32
    %dma_wait3A_506 = tpu.memref_slice %arg5[%dma_wait3A_503, %dma_wait3A_504, %dma_wait3A_505] : memref<70x4096x128xf32, #tpu.memory_space<hbm>> -> memref<20x16x128xf32, #tpu.memory_space<hbm>>
    %dma_wait3A_507 = arith.constant 0 : i32
    %dma_wait3A_508 = arith.constant 0 : i32
    %dma_wait3A_509 = arith.constant 0 : i32
    %dma_wait3A_510 = tpu.memref_slice %arg5[%dma_wait3A_507, %dma_wait3A_508, %dma_wait3A_509] : memref<70x4096x128xf32, #tpu.memory_space<hbm>> -> memref<20x16x128xf32, #tpu.memory_space<hbm>>
    tpu.wait_dma2 semaphore(%arg23 : memref<!tpu.dma_semaphore, #tpu.memory_space<semaphore_mem>>) src(%arg7 : memref<20x16x128xf32, #tpu.memory_space<vmem>>) dst(%dma_wait3A_510 : memref<20x16x128xf32, #tpu.memory_space<hbm>>)
    %dma_wait3A_511 = arith.constant 0 : i32
    %dma_wait3A_512 = arith.constant 0 : i32
    %dma_wait3A_513 = arith.constant 0 : i32
    %dma_wait3A_514 = tpu.memref_slice %arg5[%dma_wait3A_511, %dma_wait3A_512, %dma_wait3A_513] : memref<70x4096x128xf32, #tpu.memory_space<hbm>> -> memref<20x16x128xf32, #tpu.memory_space<hbm>>
    %dma_wait3A_515 = arith.constant 0 : i32
    %dma_wait3A_516 = arith.constant 0 : i32
    %dma_wait3A_517 = arith.constant 0 : i32
    %dma_wait3A_518 = tpu.memref_slice %arg5[%dma_wait3A_515, %dma_wait3A_516, %dma_wait3A_517] : memref<70x4096x128xf32, #tpu.memory_space<hbm>> -> memref<20x16x128xf32, #tpu.memory_space<hbm>>
    tpu.wait_dma2 semaphore(%arg23 : memref<!tpu.dma_semaphore, #tpu.memory_space<semaphore_mem>>) src(%arg7 : memref<20x16x128xf32, #tpu.memory_space<vmem>>) dst(%dma_wait3A_518 : memref<20x16x128xf32, #tpu.memory_space<hbm>>)
    %dma_wait3A_519 = arith.constant 0 : i32
    %dma_wait3A_520 = arith.constant 0 : i32
    %dma_wait3A_521 = arith.constant 0 : i32
    %dma_wait3A_522 = tpu.memref_slice %arg5[%dma_wait3A_519, %dma_wait3A_520, %dma_wait3A_521] : memref<70x4096x128xf32, #tpu.memory_space<hbm>> -> memref<20x16x128xf32, #tpu.memory_space<hbm>>
    %dma_wait3A_523 = arith.constant 0 : i32
    %dma_wait3A_524 = arith.constant 0 : i32
    %dma_wait3A_525 = arith.constant 0 : i32
    %dma_wait3A_526 = tpu.memref_slice %arg5[%dma_wait3A_523, %dma_wait3A_524, %dma_wait3A_525] : memref<70x4096x128xf32, #tpu.memory_space<hbm>> -> memref<20x16x128xf32, #tpu.memory_space<hbm>>
    tpu.wait_dma2 semaphore(%arg23 : memref<!tpu.dma_semaphore, #tpu.memory_space<semaphore_mem>>) src(%arg7 : memref<20x16x128xf32, #tpu.memory_space<vmem>>) dst(%dma_wait3A_526 : memref<20x16x128xf32, #tpu.memory_space<hbm>>)
    %dma_wait3A_527 = arith.constant 0 : i32
    %dma_wait3A_528 = arith.constant 0 : i32
    %dma_wait3A_529 = arith.constant 0 : i32
    %dma_wait3A_530 = tpu.memref_slice %arg5[%dma_wait3A_527, %dma_wait3A_528, %dma_wait3A_529] : memref<70x4096x128xf32, #tpu.memory_space<hbm>> -> memref<20x16x128xf32, #tpu.memory_space<hbm>>
    %dma_wait3A_531 = arith.constant 0 : i32
    %dma_wait3A_532 = arith.constant 0 : i32
    %dma_wait3A_533 = arith.constant 0 : i32
    %dma_wait3A_534 = tpu.memref_slice %arg5[%dma_wait3A_531, %dma_wait3A_532, %dma_wait3A_533] : memref<70x4096x128xf32, #tpu.memory_space<hbm>> -> memref<20x16x128xf32, #tpu.memory_space<hbm>>
    tpu.wait_dma2 semaphore(%arg23 : memref<!tpu.dma_semaphore, #tpu.memory_space<semaphore_mem>>) src(%arg7 : memref<20x16x128xf32, #tpu.memory_space<vmem>>) dst(%dma_wait3A_534 : memref<20x16x128xf32, #tpu.memory_space<hbm>>)
    return
  }
}

</mosaic_0001>

<sc_bundles>
// kernel: kernel.3.cloned.1.call-start
scs
__scs_entry_jumppad:
0x0: {  	(pc) =	sbr.rel $0x88, $3  }
0x1: {  	(tag) =	ssettag $0x0;
	lr =	simm.s32 $0x1  }
0x2: {  	[smem:$0x3F9E] =	sst lr;
	_ =	strace $0xD0000000  }
0x3: {  	_ = 	snop  }
0x4: {  	_ = 	snop  }
0x5: {  	_ = 	snop  }
0x6: {  	_ = 	snop  }
0x7: {  	_ = 	snop  }
__scs_overlays_trampoline_lowered:
0x8: {  	[smem:$0x3FAD] =	sst s0  }
0x9: {  	[smem:$0x3FAE] =	sst s1  }
0xa: {  	[smem:$0x3FAF] =	sst s2  }
0xb: {  	[smem:$0x3FB0] =	sst s3  }
0xc: {  	[smem:$0x3FB1] =	sst s4  }
0xd: {  	[smem:$0x3FB2] =	sst s5  }
0xe: {  	[smem:$0x3FB3] =	sst s6  }
0xf: {  	[smem:$0x3FB4] =	sst s7  }
0x10: {  	[smem:$0x3FB5] =	sst s8  }
0x11: {  	[smem:$0x3FB6] =	sst s9;
	s0 =	simm.s32 @!p0 $0x0  }
0x12: {  	s1 =	sld [smem:$0x3F9C];
	s0 =	simm.s32 @p0 $0x1  }
0x13: {  	[smem:$0x3FB7] =	sst s0;
	s0 =	simm.s32 @!p1 $0x0  }
0x14: {  	s2 =	sld [smem:$0x3F9B];
	s0 =	simm.s32 @p1 $0x1  }
0x15: {  	[smem:$0x3FB8] =	sst s0;
	s0 =	simm.s32 @!p2 $0x0  }
0x16: {  	s3 =	sld [smem:$0x3FDB];
	s0 =	simm.s32 @p2 $0x1  }
0x17: {  	s4 =	simm.s32 $0x1BF5;
	[smem:$0x3FBA] =	sst s0  }
0x18: {  	s0 =	sld [smem:$0x3F9D];
	_ =	swait.ge [sflag:s4], $0x0  }
0x19: {  	s7 =	sld [smem:$0x3F9E]  }
0x1a: {  	s8 =	sadd.s32 $0xFFFFE003, lr  }
0x1b: {  	s9 =	sadd.s32 $0xFFFFFEF7, lr;
	s5 =	simm.s32 $0xFFFFFFFF;
	p2 =	slt.u32 s8, $0xFFFFF086  }
0x1c: {  	p1 =	slt.u32 s9, $0xF7A;
	s5 =	simm.s32 @!p2 $0x0  }
0x1d: {  	s5 =	simm.s32 @p1 $0x1;
	p0 =	seq.s32 s7, s2  }
0x1e: {  	s7 =	smul.u32 @!p0 $0xF7A, s2;
	p2 =	seq.s32 @!p0 s5, $0x0  }
0x1f: {  	s9 =	smul.u32 $0xF7A, s1;
	s8 =	simm.s32 @!p0 $0x1BF5;
	p2 =	por !p2, p0  }
0x20: {  	[sflag:s8] =	ssyncset.s32 @!p0 $0xFFFFF086;
	s6 =	sadd.s32 @!p0 s3, s7;
	s7 =	simm.s32 @!p0 $0x108  }
0x21: {  	s3 =	sadd.s32 s3, s9;
	s6 =	sadd.s32 @!p0 $0x88, s6;
	s7 =	simm.s32 @p2 $0x1082  }
0x22: {  	[simem:s7], [sflag:s8] =	dma.local @!p0 [hbm:s6], $0xF7A  }
0x23: {  	s9 =	sor.u32 $0xD0000000, s2;
	s6 =	simm.s32 $0x108;
	_ =	swait.ge @!p0 [sflag:s8], $0x0  }
0x24: {  	s3 =	sadd.s32 $0x88, s3;
	s6 =	simm.s32 @!p1 $0x1082;
	[sflag:s4] =	ssyncset.s32 $0xFFFFF086  }
0x25: {  	[simem:s6], [sflag:s4] =	dma.local [hbm:s3], $0xF7A  }
0x26: {  	[smem:$0x3F9E] =	sst s1;
	(tag) =	ssettag s2;
	_ =	strace s9  }
0x27: {  	s1 =	sld [smem:$0x3FAE]  }
0x28: {  	s2 =	sld [smem:$0x3FAF]  }
0x29: {  	s4 =	sld [smem:$0x3FB1]  }
0x2a: {  	p0 =	seq.s32 s5, $0x0;
	s5 =	sld [smem:$0x3FB2]  }
0x2b: {  	s6 =	sld [smem:$0x3FB3]  }
0x2c: {  	s7 =	sld [smem:$0x3FB4]  }
0x2d: {  	s3 =	simm.s32 $0x108;
	s8 =	sld [smem:$0x3FB5]  }
0x2e: {  	s3 =	simm.s32 @!p0 $0x1082;
	s9 =	sld [smem:$0x3FB6]  }
0x2f: {  	lr =	sadd.s32 s0, s3;
	s0 =	sld [smem:$0x3FAD]  }
0x30: {  	s3 =	sld [smem:$0x3FB0]  }
0x31: {  	[smem:$0x3FB9] =	sst s10  }
0x32: {  	s10 =	sld [smem:$0x3FB7];
	_ =	sdelay $0x3  }
0x33: {  	p0 =	seq.s32 s10, $0x1;
	s10 =	sld [smem:$0x3FB9];
	_ =	sdelay $0x3  }
0x34: {  	[smem:$0x3FB9] =	sst s10  }
0x35: {  	s10 =	sld [smem:$0x3FB8];
	_ =	sdelay $0x3  }
0x36: {  	p1 =	seq.s32 s10, $0x1;
	s10 =	sld [smem:$0x3FB9];
	_ =	sdelay $0x3  }
0x37: {  	[smem:$0x3FB9] =	sst s10  }
0x38: {  	s10 =	sld [smem:$0x3FBA]  }
0x39: {  	_ = 	snop;
	(pc) =	sbr.ind lr, $3  }
0x3a: {  	_ = 	snop  }
0x3b: {  	_ = 	snop  }
0x3c: {  	p2 =	seq.s32 s10, $0x1;
	s10 =	sld [smem:$0x3FB9]  }
0x3d: {  	_ =	shalt  }
0x3e: {  	_ =	shalt  }
0x3f: {  	_ =	shalt  }
0x40: {  	_ =	shalt  }
0x41: {  	_ =	shalt  }
0x42: {  	_ =	shalt  }
0x43: {  	_ =	shalt  }
0x44: {  	_ =	shalt  }
0x45: {  	_ =	shalt  }
0x46: {  	_ =	shalt  }
0x47: {  	_ =	shalt  }
0x48: {  	_ =	shalt  }
0x49: {  	_ =	shalt  }
0x4a: {  	_ =	shalt  }
0x4b: {  	_ =	shalt  }
0x4c: {  	_ =	shalt  }
0x4d: {  	_ =	shalt  }
0x4e: {  	_ =	shalt  }
0x4f: {  	_ =	shalt  }
0x50: {  	_ =	shalt  }
0x51: {  	_ =	shalt  }
0x52: {  	_ =	shalt  }
0x53: {  	_ =	shalt  }
0x54: {  	_ =	shalt  }
0x55: {  	_ =	shalt  }
0x56: {  	_ =	shalt  }
0x57: {  	_ =	shalt  }
0x58: {  	_ =	shalt  }
0x59: {  	_ =	shalt  }
0x5a: {  	_ =	shalt  }
0x5b: {  	_ =	shalt  }
0x5c: {  	_ =	shalt  }
0x5d: {  	_ =	shalt  }
0x5e: {  	_ =	shalt  }
0x5f: {  	_ =	shalt  }
0x60: {  	_ =	shalt  }
0x61: {  	_ =	shalt  }
0x62: {  	_ =	shalt  }
0x63: {  	_ =	shalt  }
0x64: {  	_ =	shalt  }
0x65: {  	_ =	shalt  }
0x66: {  	_ =	shalt  }
0x67: {  	_ =	shalt  }
0x68: {  	_ =	shalt  }
0x69: {  	_ =	shalt  }
0x6a: {  	_ =	shalt  }
0x6b: {  	_ =	shalt  }
0x6c: {  	_ =	shalt  }
0x6d: {  	_ =	shalt  }
0x6e: {  	_ =	shalt  }
0x6f: {  	_ =	shalt  }
0x70: {  	_ =	shalt  }
0x71: {  	_ =	shalt  }
0x72: {  	_ =	shalt  }
0x73: {  	_ =	shalt  }
0x74: {  	_ =	shalt  }
0x75: {  	_ =	shalt  }
0x76: {  	_ =	shalt  }
0x77: {  	_ =	shalt  }
0x78: {  	_ =	shalt  }
0x79: {  	_ =	shalt  }
0x7a: {  	_ =	shalt  }
0x7b: {  	_ =	shalt  }
0x7c: {  	_ =	shalt  }
0x7d: {  	_ =	shalt  }
0x7e: {  	_ =	shalt  }
0x7f: {  	_ =	shalt  }
0x80: {  	_ =	shalt  }
0x81: {  	_ =	shalt  }
0x82: {  	_ =	shalt  }
0x83: {  	_ =	shalt  }
0x84: {  	_ =	shalt  }
0x85: {  	_ =	shalt  }
0x86: {  	_ =	shalt  }
0x87: {  	_ =	shalt  }
.Lfunc_end0:
.L_simem_size_0:
called_computation_lowered:
.L_overlay_start_0:
0x88: {  	s2 =	sld [smem:$0x3FD9]  }
0x89: {  	s3 =	sld [smem:$0x3FFE];
	_ =	sdelay $0x1  }
0x8a: {  	s1 =	srdreg.scid  }
0x8b: {  	s0 =	sand.u32 $0x1, s1  }
0x8c: {  	s17 =	sshll.u32 s0, $0xA;
	s2 =	sadd.s32 s3, s2  }
0x8d: {  	s2 =	sadd.s32 s2, s17  }
0x8e: {  	[smem:$0x3FC5] =	sst s2  }
0x8f: {  	_ = 	snop  }
0x90: {  	s2 =	sld [smem:$0x3FC9]  }
0x91: {  	s18 =	sld [smem:$0x3FC8]  }
0x92: {  	s4 =	sld [smem:$0x3FD0];
	(tm) =	ssettm $0x1  }
0x93: {  	s5 =	sld [smem:$0x3FFB];
	_ =	sdelay $0x3  }
0x94: {  	_ =	strace s5  }
0x95: {  	s5 =	sld [smem:$0x3FFC];
	_ =	sdelay $0x3  }
0x96: {  	_ =	strace s5  }
0x97: {  	s5 =	sld [smem:$0x3FFD];
	_ =	sdelay $0x3  }
0x98: {  	_ =	strace s5  }
0x99: {  	_ =	strace $0x8FFFFFFF  }
0x9a: {  	s19 =	sld [smem:$0x3FDB];
	_ =	sdelay $0x1  }
0x9b: {  	s6 =	simm.s32 $_scs_section_size  }
0x9c: {  	s7 =	simm.s32 $_size__tile_overlayer_lowered;
	s8 =	simm.s32 $_tile_overlayer_lowered  }
0x9d: {  	s22 =	simm.s32 $0x1BFF;
	s21 =	sshll.u32 s8, $0x1;
	s5 =	sadd.s32 s6, s19  }
0x9e: {  	s9 =	simm.s32 $0x0;
	s20 =	sshll.u32 s7, $0x1;
	s7 =	sadd.s32 s21, s5  }
0x9f: {  	[timem:s9], [sflag:s22] =	dma.local [hbm:s7], s20  }
0xa0: {  	_ =	swait.ge [sflag:s22], s20  }
0xa1: {  	s6 =	ssub.s32 $0x0, s20;
	[sflag:s22] =	ssyncset.done $0x0  }
0xa2: {  	[sflag:s22] =	ssyncadd.s32 s6;
	_ =	sdelay $0x1  }
0xa3: {  	s23 =	simm.s32 $0x1B8B  }
0xa4: {  	_ =	swait.ge [sflag:s23], $0x1  }
0xa5: {  	[sflag:s23] =	ssyncset.done $0x0  }
0xa6: {  	s25 =	simm.s32 $0x1B8E;
	s24 =	sld [smem:$0x3FFE];
	[sflag:s23] =	ssyncadd.s32 $0xFFFFFFFF  }
0xa7: {  	s26 =	simm.s32 $execute0_lowered;
	[smem:$0x3FD2] =	sst s25  }
0xa8: {  	s7 =	sshll.u32 s26, $0x1;
	_ =	strace $0x80000046;
	[dreg:$0x1] =	wrdreg $0xFFFFFFFF  }
0xa9: {  	s28 =	simm.s32 $_size_execute0_lowered;
	s5 =	sadd.s32 s5, s7;
	[dreg:$0x0] =	wrdreg $0x0  }
0xaa: {  	s7 =	sshll.u32 s28, $0x1;
	[dreg:$0x2] =	wrdreg s5  }
0xab: {  	[dreg:$0x3] =	wrdreg s7  }
0xac: {  	[dreg:$0x4] =	wrdreg $0xC0  }
0xad: {  	_ =	task [dreg:s9], $0x5FFFF  }
0xae: {  	[dreg:$0x1] =	wrdreg $0xFFFFFFFF  }
0xaf: {  	[dreg:$0x0] =	wrdreg $0x60  }
0xb0: {  	[dreg:$0x2] =	wrdreg s2  }
0xb1: {  	[dreg:$0x3] =	wrdreg s18  }
0xb2: {  	[dreg:$0x4] =	wrdreg s24  }
0xb3: {  	[dreg:$0x5] =	wrdreg s4  }
0xb4: {  	[dreg:$0x6] =	wrdreg $0x9  }
0xb5: {  	_ =	task.clear_ibuf [dreg:s9], $0x7FFFF;
	_ =	strace $0x90000046  }
0xb6: {  	s29 =	simm.s32 $0x9;
	_ =	strace $0x80000048  }
0xb7: {  	_ =	swait.ge [sflag:s29], $0x1  }
0xb8: {  	[sflag:s29] =	ssyncadd.s32 $0xFFFFFFFF  }
0xb9: {  	_ =	strace $0x90000048  }
0xba: {  	_ =	sfence  }
0xbb: {  	s30 =	sld [smem:$0x0];
	_ =	sdelay $0x2  }
0xbc: {  	s31 =	sshll.u32 s1, $0xD;
	s1 =	sshrl.u32 s1, $0x2  }
0xbd: {  	s3 =	sand.u32 $0x4000, s31;
	s1 =	sadd.s32 s1, s30  }
0xbe: {  	s0 =	sor.u32 s3, s0;
	s1 =	sshll.u32 s1, $0x11  }
0xbf: {  	s0 =	sor.u32 s1, s0  }
0xc0: {  	s0 =	sadd.s32 $0x8F2B, s0  }
0xc1: {  	[sflag:s0] =	ssyncadd.remote.s32 $0x1  }
0xc2: {  	_ =	sfence.sel $0xFFFF  }
0xc3: {  	[dreg:$0x0] =	wrdreg $0xFFFFFFFF;
	(pc) =	sbr.abs _section_cstart, $3  }
0xc4: {  	[dreg:$0x1] =	wrdreg $0xFFFFFFFF  }
0xc5: {  	_ =	task.clear_ibuf [dreg:s9], $0x2FFFF;
	_ =	strace $0x9FFFFFFF  }
0xc6: {  	(tm) =	ssettm $0x7FFFFFFF  }
0xc7: {  	_ =	shalt  }
tec
execute0_lowered:
.L_overlay_start_1:
0x0: {  	(tag) =	ssettag $0x1  }
0x1: {  	s0 =	rddreg [dreg:$0x0]  }
0x2: {  	s1 =	rddreg [dreg:$0x1]  }
0x3: {  	s2 =	rddreg [dreg:$0x2]  }
0x4: {  	s5 =	rddreg [dreg:$0x3];
	s4 =	srdreg.scid;
	s3 =	simm.s32 $0x0  }
0x5: {  	s10 =	stileid.u32;
	s31 =	simm.s32 $0xB;
	s6 =	sand.u32 $0x1, s4  }
0x6: {  	s28 =	simm.s32 $0x80;
	s25 =	sshll.u32 s10, $0x8;
	s7 =	sshll.u32 s6, $0x7  }
0x7: {  	s29 =	simm.s32 $0xBC00;
	[smem:$0x7FF] =	sst s3;
	s7 =	sor.u32 s7, s25  }
0x8: {  	s4 =	sadd.s32 $0x400, s2;
	_ =	strace $0x80000047;
	s0 =	sadd.s32 s0, s7  }
0x9: {  	s9 =	sshll.u32 s7, $0x4;
	[dreg:$0x5] =	wrdreg s0;
	s0 =	sadd.s32 $0x6000, s0  }
0xa: {  	s15 =	sshll.u32 s10, $0xF;
	s30 =	sadd.s32 s5, s9;
	[dreg:$0x7] =	wrdreg s0  }
0xb: {  	s10 =	simm.s32 $0x1BC00;
	s7 =	sadd.s32 $0x100, s30;
	[dreg:$0x6] =	wrdreg s30  }
0xc: {  	s8 =	ssub.s32 $0x2, s6;
	s9 =	sadd.s32 $0x200, s30;
	[dreg:$0x8] =	wrdreg s7  }
0xd: {  	s6 =	sshll.u32 s6, $0xE;
	s11 =	sadd.s32 $0x300, s30;
	[dreg:$0x9] =	wrdreg s9  }
0xe: {  	s26 =	sshrl.u32 s8, $0x1;
	s12 =	sadd.s32 $0x400, s30;
	[dreg:$0xa] =	wrdreg s11  }
0xf: {  	s2 =	ssub.s32 s8, s26;
	s13 =	sadd.s32 $0x500, s30;
	[dreg:$0xb] =	wrdreg s12  }
0x10: {  	s8 =	simm.s32 $0x13C00;
	s14 =	sadd.s32 $0x600, s30;
	[dreg:$0xc] =	wrdreg s13  }
0x11: {  	s16 =	sadd.s32 $0x700, s30;
	s17 =	sadd.s32 $0x410000, s30;
	[dreg:$0xd] =	wrdreg s14  }
0x12: {  	s0 =	sor.u32 s6, s15;
	s18 =	sadd.s32 $0x420000, s30;
	[dreg:$0xe] =	wrdreg s16  }
0x13: {  	s21 =	sadd.s32 $0x440000, s30;
	s26 =	sadd.s32 $0x450000, s30;
	[dreg:$0xf] =	wrdreg s17  }
0x14: {  	s15 =	simm.s32 $0x5;
	[dreg:$0x10] =	wrdreg s18;
	s19 =	sor.u32 $0xC00000, s0  }
0x15: {  	s20 =	sor.u32 $0xB80000, s0;
	s9 =	sadd.s32 $0x430000, s30;
	[dreg:$0x12] =	wrdreg s21  }
0x16: {  	s23 =	sor.u32 $0xB00000, s0;
	s24 =	sor.u32 $0xA80000, s0;
	s0 =	sor.u32 $0xA00000, s0  }
0x17: {  	[dreg:$0x18] =	wrdreg s26;
	s30 =	smax.u32 s2, $0x1;
	s2 =	simm.s32 $0x80000  }
0x18: {  	s26 =	simm.s32 $0x1C00;
	s11 =	simm.s32 $0x1;
	s12 =	simm.s32 $0x2  }
0x19: {  	s13 =	simm.s32 $0x3;
	s14 =	simm.s32 $0x4;
	s16 =	simm.s32 $0x6  }
0x1a: {  	s17 =	simm.s32 $0x8;
	s18 =	simm.s32 $0x9;
	[dreg:$0x11] =	wrdreg s9  }
0x1b: {  	s6 =	sshrl.u32 s19, $0x3;
	s7 =	sshrl.u32 s20, $0x3;
	s0 =	sshrl.u32 s0, $0x3  }
0x1c: {  	[dreg:$0x19] =	wrdreg s30;
	s9 =	simm.s32 $0x17C00;
	s6 =	sadd.s32 s6, s5  }
0x1d: {  	s22 =	sadd.s32 s7, s5;
	s7 =	sshrl.u32 s24, $0x3;
	[dreg:$0x13] =	wrdreg s6  }
0x1e: {  	s0 =	sadd.s32 s0, s5;
	s24 =	simm.s32 $0xA;
	[dreg:$0x14] =	wrdreg s22  }
0x1f: {  	s6 =	sshrl.u32 s23, $0x3;
	s25 =	sadd.s32 s7, s5;
	[dreg:$0x17] =	wrdreg s0  }
0x20: {  	s7 =	simm.s32 $0xFC00;
	s6 =	sadd.s32 s6, s5;
	[dreg:$0x16] =	wrdreg s25  }
0x21: {  	s5 =	simm.s32 $0x7;
	s25 =	simm.s32 $0x0;
	[dreg:$0x15] =	wrdreg s6  }
.LBB2_1:
0x22: {  	s0 =	rddreg [dreg:$0x5];
	s6 =	simm.s32 $0x400;
	s19 =	simm.s32 $0x8000  }
0x23: {  	[tilespmem:s3], [sflag:$0xC] =	stream.strided.gather [hbm4b:s0+s6], $0x1800, s19, s6, $0x38;
	[tilespmem:$0x1FC00] =	vst v63  }
0x24: {  	s22 =	rddreg [dreg:$0x7];
	s23 =	simm.s32 $0x1800;
	s30 =	simm.s32 $0xC  }
0x25: {  	[tilespmem:s23], [sflag:$0xC] =	stream.linear.gather [hbm4b:s22+s3], $0x100, $0x38;
	[tilespmem:$0x1FC00] =	vst v63  }
0x26: {  	_ =	swait.ge [sflag:s30], $0x1900  }
0x27: {  	[sflag:s30] =	ssyncset.done $0x0  }
0x28: {  	s20 =	simm.s32 $0x0;
	s19 =	simm.s32 $0x1C00;
	[sflag:s30] =	ssyncadd.s32 $0xFFFFE700  }
.LBB2_2:
0x29: {  	p0 =	sne.s32 s20, $0x130  }
.Ltmp0:
0x2a: {  	_ = 	snop;
	(pc) =	sbr.rel @p0 .LBB2_2-.Ltmp0, $4  }
0x2b: {  	_ = 	snop  }
0x2c: {  	s21 =	sadd.s32 s20, s4;
	s6 =	simm.s32 $0x0  }
0x2d: {  	[tilespmem:s19], [sflag:$0xB] =	stream.linear.gather [hbm4b:s21+s6], $0x80, $0x38;
	[tilespmem:$0x1FC00] =	vst v63  }
0x2e: {  	s20 =	sadd.s32 $0x10, s20;
	s19 =	sadd.s32 $0x800, s19  }
0x2f: {  	s19 =	simm.s32 $0x1C80;
	s20 =	simm.s32 $0x0  }
.LBB2_4:
0x30: {  	p0 =	sne.s32 s20, $0x130  }
.Ltmp1:
0x31: {  	_ = 	snop;
	(pc) =	sbr.rel @p0 .LBB2_4-.Ltmp1, $4  }
0x32: {  	_ = 	snop  }
0x33: {  	s21 =	sadd.s32 s20, s4  }
0x34: {  	[tilespmem:s19], [sflag:$0xB] =	stream.linear.gather [hbm4b:s21+s6], $0x80, $0x38;
	[tilespmem:$0x1FC00] =	vst v63  }
0x35: {  	s20 =	sadd.s32 $0x10, s20;
	s19 =	sadd.s32 $0x800, s19  }
0x36: {  	s20 =	simm.s32 $0x1D00  }
.LBB2_6:
0x37: {  	p0 =	sne.s32 s6, $0x130  }
.Ltmp2:
0x38: {  	_ = 	snop;
	(pc) =	sbr.rel @p0 .LBB2_6-.Ltmp2, $4  }
0x39: {  	_ = 	snop  }
0x3a: {  	s21 =	sadd.s32 s6, s4;
	s19 =	simm.s32 $0x0  }
0x3b: {  	[tilespmem:s20], [sflag:$0xB] =	stream.linear.gather [hbm4b:s21+s19], $0x80, $0x38;
	[tilespmem:$0x1FC00] =	vst v63  }
0x3c: {  	s6 =	sadd.s32 $0x10, s6;
	s20 =	sadd.s32 $0x800, s20  }
0x3d: {  	s6 =	simm.s32 $0x1D80;
	s20 =	simm.s32 $0x0  }
.LBB2_8:
0x3e: {  	p0 =	sne.s32 s20, $0x130  }
.Ltmp3:
0x3f: {  	_ = 	snop;
	(pc) =	sbr.rel @p0 .LBB2_8-.Ltmp3, $4  }
0x40: {  	_ = 	snop  }
0x41: {  	s21 =	sadd.s32 s20, s4  }
0x42: {  	[tilespmem:s6], [sflag:$0xB] =	stream.linear.gather [hbm4b:s21+s19], $0x80, $0x38;
	[tilespmem:$0x1FC00] =	vst v63  }
0x43: {  	s20 =	sadd.s32 $0x10, s20;
	s6 =	sadd.s32 $0x800, s6  }
0x44: {  	s20 =	simm.s32 $0x1E00  }
.LBB2_10:
0x45: {  	p0 =	sne.s32 s19, $0x130  }
.Ltmp4:
0x46: {  	_ = 	snop;
	(pc) =	sbr.rel @p0 .LBB2_10-.Ltmp4, $4  }
0x47: {  	_ = 	snop  }
0x48: {  	s21 =	sadd.s32 s19, s4;
	s6 =	simm.s32 $0x0  }
0x49: {  	[tilespmem:s20], [sflag:$0xB] =	stream.linear.gather [hbm4b:s21+s6], $0x80, $0x38;
	[tilespmem:$0x1FC00] =	vst v63  }
0x4a: {  	s19 =	sadd.s32 $0x10, s19;
	s20 =	sadd.s32 $0x800, s20  }
0x4b: {  	s19 =	simm.s32 $0x1E80;
	s20 =	simm.s32 $0x0  }
.LBB2_12:
0x4c: {  	p0 =	sne.s32 s20, $0x130  }
.Ltmp5:
0x4d: {  	_ = 	snop;
	(pc) =	sbr.rel @p0 .LBB2_12-.Ltmp5, $4  }
0x4e: {  	_ = 	snop  }
0x4f: {  	s21 =	sadd.s32 s20, s4  }
0x50: {  	[tilespmem:s19], [sflag:$0xB] =	stream.linear.gather [hbm4b:s21+s6], $0x80, $0x38;
	[tilespmem:$0x1FC00] =	vst v63  }
0x51: {  	s20 =	sadd.s32 $0x10, s20;
	s19 =	sadd.s32 $0x800, s19  }
0x52: {  	s20 =	simm.s32 $0x1F00  }
.LBB2_14:
0x53: {  	p0 =	sne.s32 s6, $0x130  }
.Ltmp6:
0x54: {  	_ = 	snop;
	(pc) =	sbr.rel @p0 .LBB2_14-.Ltmp6, $4  }
0x55: {  	_ = 	snop  }
0x56: {  	s21 =	sadd.s32 s6, s4;
	s19 =	simm.s32 $0x0  }
0x57: {  	[tilespmem:s20], [sflag:$0xB] =	stream.linear.gather [hbm4b:s21+s19], $0x80, $0x38;
	[tilespmem:$0x1FC00] =	vst v63  }
0x58: {  	s6 =	sadd.s32 $0x10, s6;
	s20 =	sadd.s32 $0x800, s20  }
0x59: {  	s6 =	simm.s32 $0x1F80;
	s20 =	simm.s32 $0x0  }
.LBB2_16:
0x5a: {  	p0 =	sne.s32 s20, $0x130  }
.Ltmp7:
0x5b: {  	_ = 	snop;
	(pc) =	sbr.rel @p0 .LBB2_16-.Ltmp7, $4  }
0x5c: {  	_ = 	snop  }
0x5d: {  	s21 =	sadd.s32 s20, s4  }
0x5e: {  	[tilespmem:s6], [sflag:$0xB] =	stream.linear.gather [hbm4b:s21+s19], $0x80, $0x38;
	[tilespmem:$0x1FC00] =	vst v63  }
0x5f: {  	s20 =	sadd.s32 $0x10, s20;
	s6 =	sadd.s32 $0x800, s6  }
0x60: {  	s20 =	simm.s32 $0x2000  }
.LBB2_18:
0x61: {  	p0 =	sne.s32 s19, $0x130  }
.Ltmp8:
0x62: {  	_ = 	snop;
	(pc) =	sbr.rel @p0 .LBB2_18-.Ltmp8, $4  }
0x63: {  	_ = 	snop  }
0x64: {  	s21 =	sadd.s32 s19, s4;
	s6 =	simm.s32 $0x0  }
0x65: {  	[tilespmem:s20], [sflag:$0xB] =	stream.linear.gather [hbm4b:s21+s6], $0x80, $0x38;
	[tilespmem:$0x1FC00] =	vst v63  }
0x66: {  	s19 =	sadd.s32 $0x10, s19;
	s20 =	sadd.s32 $0x800, s20  }
0x67: {  	s19 =	simm.s32 $0x2080;
	s20 =	simm.s32 $0x0  }
.LBB2_20:
0x68: {  	p0 =	sne.s32 s20, $0x130  }
.Ltmp9:
0x69: {  	_ = 	snop;
	(pc) =	sbr.rel @p0 .LBB2_20-.Ltmp9, $4  }
0x6a: {  	_ = 	snop  }
0x6b: {  	s21 =	sadd.s32 s20, s4  }
0x6c: {  	[tilespmem:s19], [sflag:$0xB] =	stream.linear.gather [hbm4b:s21+s6], $0x80, $0x38;
	[tilespmem:$0x1FC00] =	vst v63  }
0x6d: {  	s20 =	sadd.s32 $0x10, s20;
	s19 =	sadd.s32 $0x800, s19  }
0x6e: {  	s20 =	simm.s32 $0x2100  }
.LBB2_22:
0x6f: {  	p0 =	sne.s32 s6, $0x130  }
.Ltmp10:
0x70: {  	_ = 	snop;
	(pc) =	sbr.rel @p0 .LBB2_22-.Ltmp10, $4  }
0x71: {  	_ = 	snop  }
0x72: {  	s21 =	sadd.s32 s6, s4;
	s19 =	simm.s32 $0x0  }
0x73: {  	[tilespmem:s20], [sflag:$0xB] =	stream.linear.gather [hbm4b:s21+s19], $0x80, $0x38;
	[tilespmem:$0x1FC00] =	vst v63  }
0x74: {  	s6 =	sadd.s32 $0x10, s6;
	s20 =	sadd.s32 $0x800, s20  }
0x75: {  	s6 =	simm.s32 $0x2180;
	s20 =	simm.s32 $0x0  }
.LBB2_24:
0x76: {  	p0 =	sne.s32 s20, $0x130  }
.Ltmp11:
0x77: {  	_ = 	snop;
	(pc) =	sbr.rel @p0 .LBB2_24-.Ltmp11, $4  }
0x78: {  	_ = 	snop  }
0x79: {  	s21 =	sadd.s32 s20, s4  }
0x7a: {  	[tilespmem:s6], [sflag:$0xB] =	stream.linear.gather [hbm4b:s21+s19], $0x80, $0x38;
	[tilespmem:$0x1FC00] =	vst v63  }
0x7b: {  	s20 =	sadd.s32 $0x10, s20;
	s6 =	sadd.s32 $0x800, s6  }
0x7c: {  	s20 =	simm.s32 $0x2200  }
.LBB2_26:
0x7d: {  	p0 =	sne.s32 s19, $0x130  }
.Ltmp12:
0x7e: {  	_ = 	snop;
	(pc) =	sbr.rel @p0 .LBB2_26-.Ltmp12, $4  }
0x7f: {  	_ = 	snop  }
0x80: {  	s21 =	sadd.s32 s19, s4;
	s6 =	simm.s32 $0x0  }
0x81: {  	[tilespmem:s20], [sflag:$0xB] =	stream.linear.gather [hbm4b:s21+s6], $0x80, $0x38;
	[tilespmem:$0x1FC00] =	vst v63  }
0x82: {  	s19 =	sadd.s32 $0x10, s19;
	s20 =	sadd.s32 $0x800, s20  }
0x83: {  	s19 =	simm.s32 $0x2280;
	s20 =	simm.s32 $0x0  }
.LBB2_28:
0x84: {  	p0 =	sne.s32 s20, $0x130  }
.Ltmp13:
0x85: {  	_ = 	snop;
	(pc) =	sbr.rel @p0 .LBB2_28-.Ltmp13, $4  }
0x86: {  	_ = 	snop  }
0x87: {  	s21 =	sadd.s32 s20, s4  }
0x88: {  	[tilespmem:s19], [sflag:$0xB] =	stream.linear.gather [hbm4b:s21+s6], $0x80, $0x38;
	[tilespmem:$0x1FC00] =	vst v63  }
0x89: {  	s20 =	sadd.s32 $0x10, s20;
	s19 =	sadd.s32 $0x800, s19  }
0x8a: {  	s19 =	simm.s32 $0x2300  }
.LBB2_30:
0x8b: {  	p0 =	sne.s32 s6, $0x130  }
.Ltmp14:
0x8c: {  	_ = 	snop;
	(pc) =	sbr.rel @p0 .LBB2_30-.Ltmp14, $4  }
0x8d: {  	_ = 	snop  }
0x8e: {  	s20 =	sadd.s32 s6, s4;
	s21 =	simm.s32 $0x0  }
0x8f: {  	[tilespmem:s19], [sflag:$0xB] =	stream.linear.gather [hbm4b:s20+s21], $0x80, $0x38;
	[tilespmem:$0x1FC00] =	vst v63  }
0x90: {  	s6 =	sadd.s32 $0x10, s6;
	s19 =	sadd.s32 $0x800, s19  }
0x91: {  	s6 =	simm.s32 $0x2380  }
0x92: {  	s19 =	simm.s32 $0x10;
	s21 =	sadd.s32 $0x0, s4;
	s20 =	simm.s32 $0x2B80  }
.LBB2_32:
0x93: {  	[tilespmem:s6], [sflag:$0xB] =	stream.linear.gather [hbm4b:s21+s3], $0x80, $0x38;
	[tilespmem:$0x1FC00] =	vst v63  }
0x94: {  	s21 =	smov.u32 s19;
	s6 =	smov.u32 s20;
	p0 =	sne.s32 s19, $0x130  }
.Ltmp15:
0x95: {  	s19 =	sadd.s32 $0x10, s19;
	(pc) =	sbr.rel @p0 .LBB2_32-.Ltmp15, $2  }
0x96: {  	_ =	sdelay $0x2  }
0x97: {  	s20 =	sadd.s32 $0x800, s20;
	s21 =	sadd.s32 s21, s4  }
0x98: {  	[tilespmem:s6], [sflag:$0xB] =	stream.linear.gather [hbm4b:s21+s3], $0x80, $0x38;
	[tilespmem:$0x1FC00] =	vst v63  }
0x99: {  	_ =	swait.ge [sflag:s31], $0xA00  }
0x9a: {  	[sflag:s31] =	ssyncset.done $0x0  }
0x9b: {  	[sflag:s31] =	ssyncadd.s32 $0xFFFFF600  }
0x9c: {  	_ =	swait.ge [sflag:s31], $0xA00  }
0x9d: {  	[sflag:s31] =	ssyncset.done $0x0  }
0x9e: {  	[sflag:s31] =	ssyncadd.s32 $0xFFFFF600  }
0x9f: {  	_ =	swait.ge [sflag:s31], $0xA00  }
0xa0: {  	[sflag:s31] =	ssyncset.done $0x0  }
0xa1: {  	[sflag:s31] =	ssyncadd.s32 $0xFFFFF600  }
0xa2: {  	_ =	swait.ge [sflag:s31], $0xA00  }
0xa3: {  	[sflag:s31] =	ssyncset.done $0x0  }
0xa4: {  	[sflag:s31] =	ssyncadd.s32 $0xFFFFF600  }
0xa5: {  	_ =	swait.ge [sflag:s31], $0xA00  }
0xa6: {  	[sflag:s31] =	ssyncset.done $0x0  }
0xa7: {  	[sflag:s31] =	ssyncadd.s32 $0xFFFFF600  }
0xa8: {  	_ =	swait.ge [sflag:s31], $0xA00  }
0xa9: {  	[sflag:s31] =	ssyncset.done $0x0  }
0xaa: {  	[sflag:s31] =	ssyncadd.s32 $0xFFFFF600  }
0xab: {  	_ =	swait.ge [sflag:s31], $0xA00  }
0xac: {  	[sflag:s31] =	ssyncset.done $0x0  }
0xad: {  	[sflag:s31] =	ssyncadd.s32 $0xFFFFF600  }
0xae: {  	_ =	swait.ge [sflag:s31], $0xA00  }
0xaf: {  	[sflag:s31] =	ssyncset.done $0x0  }
0xb0: {  	[sflag:s31] =	ssyncadd.s32 $0xFFFFF600  }
0xb1: {  	_ =	swait.ge [sflag:s31], $0xA00  }
0xb2: {  	[sflag:s31] =	ssyncset.done $0x0  }
0xb3: {  	[sflag:s31] =	ssyncadd.s32 $0xFFFFF600  }
0xb4: {  	_ =	swait.ge [sflag:s31], $0xA00  }
0xb5: {  	[sflag:s31] =	ssyncset.done $0x0  }
0xb6: {  	[sflag:s31] =	ssyncadd.s32 $0xFFFFF600  }
0xb7: {  	_ =	swait.ge [sflag:s31], $0xA00  }
0xb8: {  	[sflag:s31] =	ssyncset.done $0x0  }
0xb9: {  	[sflag:s31] =	ssyncadd.s32 $0xFFFFF600  }
0xba: {  	_ =	swait.ge [sflag:s31], $0xA00  }
0xbb: {  	[sflag:s31] =	ssyncset.done $0x0  }
0xbc: {  	[sflag:s31] =	ssyncadd.s32 $0xFFFFF600  }
0xbd: {  	_ =	swait.ge [sflag:s31], $0xA00  }
0xbe: {  	[sflag:s31] =	ssyncset.done $0x0  }
0xbf: {  	[sflag:s31] =	ssyncadd.s32 $0xFFFFF600  }
0xc0: {  	_ =	swait.ge [sflag:s31], $0xA00  }
0xc1: {  	[sflag:s31] =	ssyncset.done $0x0  }
0xc2: {  	[sflag:s31] =	ssyncadd.s32 $0xFFFFF600  }
0xc3: {  	_ =	swait.ge [sflag:s31], $0xA00  }
0xc4: {  	[sflag:s31] =	ssyncset.done $0x0  }
0xc5: {  	[sflag:s31] =	ssyncadd.s32 $0xFFFFF600  }
0xc6: {  	_ =	swait.ge [sflag:s31], $0xA00  }
0xc7: {  	[sflag:s31] =	ssyncset.done $0x0  }
0xc8: {  	s6 =	simm.s32 $0x800;
	s0 =	rddreg [dreg:$0x6];
	[sflag:s31] =	ssyncadd.s32 $0xFFFFF600  }
0xc9: {  	[hbm4b:s0+s6] =	stream.strided.scatter [tilespmem:s26], [sflag:$0xB], $0xA000, s2, s6, $0x38;
	[tilespmem:$0x1FC00] =	vst v63  }
0xca: {  	s19 =	rddreg [dreg:$0x8]  }
0xcb: {  	[hbm4b:s19+s6] =	stream.strided.scatter [tilespmem:s26], [sflag:$0xB], $0xA000, s2, s6, $0x38;
	[tilespmem:$0x1FC00] =	vst v63  }
0xcc: {  	s20 =	rddreg [dreg:$0x9]  }
0xcd: {  	[hbm4b:s20+s6] =	stream.strided.scatter [tilespmem:s26], [sflag:$0xB], $0xA000, s2, s6, $0x38;
	[tilespmem:$0x1FC00] =	vst v63  }
0xce: {  	s21 =	rddreg [dreg:$0xa]  }
0xcf: {  	[hbm4b:s21+s6] =	stream.strided.scatter [tilespmem:s26], [sflag:$0xB], $0xA000, s2, s6, $0x38;
	[tilespmem:$0x1FC00] =	vst v63  }
0xd0: {  	s22 =	rddreg [dreg:$0xb]  }
0xd1: {  	[hbm4b:s22+s6] =	stream.strided.scatter [tilespmem:s26], [sflag:$0xB], $0xA000, s2, s6, $0x38;
	[tilespmem:$0x1FC00] =	vst v63  }
0xd2: {  	s23 =	rddreg [dreg:$0xc]  }
0xd3: {  	[hbm4b:s23+s6] =	stream.strided.scatter [tilespmem:s26], [sflag:$0xB], $0xA000, s2, s6, $0x38;
	[tilespmem:$0x1FC00] =	vst v63  }
0xd4: {  	s19 =	rddreg [dreg:$0xd]  }
0xd5: {  	[hbm4b:s19+s6] =	stream.strided.scatter [tilespmem:s26], [sflag:$0xB], $0xA000, s2, s6, $0x38;
	[tilespmem:$0x1FC00] =	vst v63  }
0xd6: {  	s20 =	rddreg [dreg:$0xe]  }
0xd7: {  	[hbm4b:s20+s6] =	stream.strided.scatter [tilespmem:s26], [sflag:$0xB], $0xA000, s2, s6, $0x38;
	[tilespmem:$0x1FC00] =	vst v63  }
0xd8: {  	s21 =	simm.s32 $0x0  }
0xd9: {  	[tilespmem:s29], [sflag:$0x1] =	stream.indirect.gather [hbm4b:s1+s28], $0x80, s21, s28, $0xb8;
	[tilespmem:$0x1FC00] =	vst v63  }
0xda: {  	_ = 	snop  }
0xdb: {  	[tilespmem:s7], [sflag:$0x2] =	stream.indirect.gather [hbm4b:s1+s28], $0x80, s28, s28, $0xb8;
	[tilespmem:$0x1FC00] =	vst v63  }
0xdc: {  	s22 =	simm.s32 $0x100  }
0xdd: {  	[tilespmem:s8], [sflag:$0x3] =	stream.indirect.gather [hbm4b:s1+s28], $0x80, s22, s28, $0xb8;
	[tilespmem:$0x1FC00] =	vst v63  }
0xde: {  	s23 =	simm.s32 $0x180  }
0xdf: {  	[tilespmem:s9], [sflag:$0x4] =	stream.indirect.gather [hbm4b:s1+s28], $0x80, s23, s28, $0xb8;
	[tilespmem:$0x1FC00] =	vst v63  }
0xe0: {  	s6 =	simm.s32 $0x200  }
0xe1: {  	[tilespmem:s10], [sflag:$0x5] =	stream.indirect.gather [hbm4b:s1+s28], $0x80, s6, s28, $0xb8;
	[tilespmem:$0x1FC00] =	vst v63  }
0xe2: {  	_ =	swait.ge [sflag:s11], $0x4000  }
0xe3: {  	[sflag:s11] =	ssyncset.done $0x0  }
0xe4: {  	s23 =	rddreg [dreg:$0x17];
	[sflag:s11] =	ssyncadd.s32 $0xFFFFC000  }
0xe5: {  	[hbm4b:s23+s3] =	stream.linear.scatter [tilespmem:s29], [sflag:$0x6], $0x4000, $0x38;
	[tilespmem:$0x1FC00] =	vst v63  }
0xe6: {  	_ =	swait.ge [sflag:s12], $0x4000  }
0xe7: {  	[sflag:s12] =	ssyncset.done $0x0  }
0xe8: {  	s22 =	rddreg [dreg:$0x16];
	[sflag:s12] =	ssyncadd.s32 $0xFFFFC000  }
0xe9: {  	[hbm4b:s22+s3] =	stream.linear.scatter [tilespmem:s7], [sflag:$0x7], $0x4000, $0x38;
	[tilespmem:$0x1FC00] =	vst v63  }
0xea: {  	_ =	swait.ge [sflag:s13], $0x4000  }
0xeb: {  	[sflag:s13] =	ssyncset.done $0x0  }
0xec: {  	s21 =	rddreg [dreg:$0x15];
	[sflag:s13] =	ssyncadd.s32 $0xFFFFC000  }
0xed: {  	[hbm4b:s21+s3] =	stream.linear.scatter [tilespmem:s8], [sflag:$0x8], $0x4000, $0x38;
	[tilespmem:$0x1FC00] =	vst v63  }
0xee: {  	_ =	swait.ge [sflag:s14], $0x4000  }
0xef: {  	[sflag:s14] =	ssyncset.done $0x0  }
0xf0: {  	s20 =	rddreg [dreg:$0x14];
	[sflag:s14] =	ssyncadd.s32 $0xFFFFC000  }
0xf1: {  	[hbm4b:s20+s3] =	stream.linear.scatter [tilespmem:s9], [sflag:$0x9], $0x4000, $0x38;
	[tilespmem:$0x1FC00] =	vst v63  }
0xf2: {  	_ =	swait.ge [sflag:s15], $0x4000  }
0xf3: {  	[sflag:s15] =	ssyncset.done $0x0  }
0xf4: {  	s0 =	rddreg [dreg:$0x13];
	[sflag:s15] =	ssyncadd.s32 $0xFFFFC000  }
0xf5: {  	[hbm4b:s0+s3] =	stream.linear.scatter [tilespmem:s10], [sflag:$0xA], $0x4000, $0x38;
	[tilespmem:$0x1FC00] =	vst v63  }
0xf6: {  	_ =	swait.ge [sflag:s16], $0x4000  }
0xf7: {  	[sflag:s16] =	ssyncset.done $0x0  }
0xf8: {  	s19 =	simm.s32 $0x280;
	[sflag:s16] =	ssyncadd.s32 $0xFFFFC000  }
0xf9: {  	[tilespmem:s29], [sflag:$0x1] =	stream.indirect.gather [hbm4b:s1+s28], $0x80, s19, s28, $0xb8;
	[tilespmem:$0x1FC00] =	vst v63  }
0xfa: {  	_ =	swait.ge [sflag:s5], $0x4000  }
0xfb: {  	[sflag:s5] =	ssyncset.done $0x0  }
0xfc: {  	s19 =	simm.s32 $0x300;
	[sflag:s5] =	ssyncadd.s32 $0xFFFFC000  }
0xfd: {  	[tilespmem:s7], [sflag:$0x2] =	stream.indirect.gather [hbm4b:s1+s28], $0x80, s19, s28, $0xb8;
	[tilespmem:$0x1FC00] =	vst v63  }
0xfe: {  	_ =	swait.ge [sflag:s17], $0x4000  }
0xff: {  	[sflag:s17] =	ssyncset.done $0x0  }
0x100: {  	s19 =	simm.s32 $0x380;
	[sflag:s17] =	ssyncadd.s32 $0xFFFFC000  }
0x101: {  	[tilespmem:s8], [sflag:$0x3] =	stream.indirect.gather [hbm4b:s1+s28], $0x80, s19, s28, $0xb8;
	[tilespmem:$0x1FC00] =	vst v63  }
0x102: {  	_ =	swait.ge [sflag:s18], $0x4000  }
0x103: {  	[sflag:s18] =	ssyncset.done $0x0  }
0x104: {  	s6 =	simm.s32 $0xA00;
	s19 =	simm.s32 $0x400;
	[sflag:s18] =	ssyncadd.s32 $0xFFFFC000  }
0x105: {  	[tilespmem:s9], [sflag:$0x4] =	stream.indirect.gather [hbm4b:s1+s28], $0x80, s19, s28, $0xb8;
	[tilespmem:$0x1FC00] =	vst v63  }
0x106: {  	s30 =	sadd.s32 $0x50000, s22;
	s21 =	sadd.s32 $0x50000, s21;
	_ =	swait.ge [sflag:s24], $0x4000  }
0x107: {  	s20 =	sadd.s32 $0x50000, s20;
	s22 =	sadd.s32 $0x50000, s0;
	[sflag:s24] =	ssyncset.done $0x0  }
0x108: {  	s19 =	sadd.s32 $0x50000, s23;
	s23 =	simm.s32 $0x480;
	[sflag:s24] =	ssyncadd.s32 $0xFFFFC000  }
.LBB2_34:
0x109: {  	[tilespmem:s10], [sflag:$0x5] =	stream.indirect.gather [hbm4b:s1+s28], $0x80, s23, s28, $0xb8;
	[tilespmem:$0x1FC00] =	vst v63  }
0x10a: {  	s23 =	smov.u32 s6  }
0x10b: {  	p0 =	sne.s32 s6, $0x5000;
	s6 =	sadd.s32 $0xA00, s6;
	_ =	swait.ge [sflag:s11], $0x4000  }
0x10c: {  	[sflag:s11] =	ssyncset.done $0x0  }
0x10d: {  	[sflag:s11] =	ssyncadd.s32 $0xFFFFC000  }
0x10e: {  	[hbm4b:s19+s3] =	stream.linear.scatter [tilespmem:s29], [sflag:$0x6], $0x4000, $0x38;
	[tilespmem:$0x1FC00] =	vst v63  }
0x10f: {  	_ =	swait.ge [sflag:s12], $0x4000  }
0x110: {  	[sflag:s12] =	ssyncset.done $0x0  }
0x111: {  	[sflag:s12] =	ssyncadd.s32 $0xFFFFC000  }
0x112: {  	[hbm4b:s30+s3] =	stream.linear.scatter [tilespmem:s7], [sflag:$0x7], $0x4000, $0x38;
	[tilespmem:$0x1FC00] =	vst v63  }
0x113: {  	_ =	swait.ge [sflag:s13], $0x4000  }
0x114: {  	[sflag:s13] =	ssyncset.done $0x0  }
0x115: {  	[sflag:s13] =	ssyncadd.s32 $0xFFFFC000  }
0x116: {  	[hbm4b:s21+s3] =	stream.linear.scatter [tilespmem:s8], [sflag:$0x8], $0x4000, $0x38;
	[tilespmem:$0x1FC00] =	vst v63  }
0x117: {  	_ =	swait.ge [sflag:s14], $0x4000  }
0x118: {  	[sflag:s14] =	ssyncset.done $0x0  }
0x119: {  	[sflag:s14] =	ssyncadd.s32 $0xFFFFC000  }
0x11a: {  	[hbm4b:s20+s3] =	stream.linear.scatter [tilespmem:s9], [sflag:$0x9], $0x4000, $0x38;
	[tilespmem:$0x1FC00] =	vst v63  }
0x11b: {  	_ =	swait.ge [sflag:s15], $0x4000  }
0x11c: {  	[sflag:s15] =	ssyncset.done $0x0  }
0x11d: {  	[sflag:s15] =	ssyncadd.s32 $0xFFFFC000  }
0x11e: {  	[hbm4b:s22+s3] =	stream.linear.scatter [tilespmem:s10], [sflag:$0xA], $0x4000, $0x38;
	[tilespmem:$0x1FC00] =	vst v63  }
0x11f: {  	_ =	swait.ge [sflag:s16], $0x4000  }
0x120: {  	s23 =	sshra.s32 s23, $0x2;
	[sflag:s16] =	ssyncset.done $0x0  }
0x121: {  	s0 =	sadd.s32 $0x280, s23;
	[sflag:s16] =	ssyncadd.s32 $0xFFFFC000  }
0x122: {  	[tilespmem:s29], [sflag:$0x1] =	stream.indirect.gather [hbm4b:s1+s28], $0x80, s0, s28, $0xb8;
	[tilespmem:$0x1FC00] =	vst v63  }
0x123: {  	_ =	swait.ge [sflag:s5], $0x4000  }
0x124: {  	[sflag:s5] =	ssyncset.done $0x0  }
0x125: {  	s0 =	sadd.s32 $0x300, s23;
	[sflag:s5] =	ssyncadd.s32 $0xFFFFC000  }
0x126: {  	[tilespmem:s7], [sflag:$0x2] =	stream.indirect.gather [hbm4b:s1+s28], $0x80, s0, s28, $0xb8;
	[tilespmem:$0x1FC00] =	vst v63  }
0x127: {  	_ =	swait.ge [sflag:s17], $0x4000  }
0x128: {  	[sflag:s17] =	ssyncset.done $0x0  }
0x129: {  	s0 =	sadd.s32 $0x380, s23;
	[sflag:s17] =	ssyncadd.s32 $0xFFFFC000  }
0x12a: {  	[tilespmem:s8], [sflag:$0x3] =	stream.indirect.gather [hbm4b:s1+s28], $0x80, s0, s28, $0xb8;
	[tilespmem:$0x1FC00] =	vst v63  }
0x12b: {  	_ =	swait.ge [sflag:s18], $0x4000  }
0x12c: {  	[sflag:s18] =	ssyncset.done $0x0  }
.Ltmp16:
0x12d: {  	s0 =	sadd.s32 $0x400, s23;
	[sflag:s18] =	ssyncadd.s32 $0xFFFFC000;
	(pc) =	sbr.rel @p0 .LBB2_34-.Ltmp16, $4  }
0x12e: {  	[tilespmem:s9], [sflag:$0x4] =	stream.indirect.gather [hbm4b:s1+s28], $0x80, s0, s28, $0xb8;
	[tilespmem:$0x1FC00] =	vst v63  }
0x12f: {  	s19 =	sadd.s32 $0x50000, s19;
	s30 =	sadd.s32 $0x50000, s30;
	_ =	swait.ge [sflag:s24], $0x4000  }
0x130: {  	s21 =	sadd.s32 $0x50000, s21;
	s20 =	sadd.s32 $0x50000, s20;
	[sflag:s24] =	ssyncset.done $0x0  }
0x131: {  	s22 =	sadd.s32 $0x50000, s22;
	s23 =	sadd.s32 $0x480, s23;
	[sflag:s24] =	ssyncadd.s32 $0xFFFFC000  }
0x132: {  	[tilespmem:s10], [sflag:$0x5] =	stream.indirect.gather [hbm4b:s1+s28], $0x80, s23, s28, $0xb8;
	[tilespmem:$0x1FC00] =	vst v63  }
0x133: {  	_ =	swait.ge [sflag:s11], $0x4000  }
0x134: {  	[sflag:s11] =	ssyncset.done $0x0  }
0x135: {  	s0 =	rddreg [dreg:$0xf];
	[sflag:s11] =	ssyncadd.s32 $0xFFFFC000  }
0x136: {  	[hbm4b:s0+s3] =	stream.linear.scatter [tilespmem:s29], [sflag:$0x6], $0x4000, $0x38;
	[tilespmem:$0x1FC00] =	vst v63  }
0x137: {  	_ =	swait.ge [sflag:s12], $0x4000  }
0x138: {  	[sflag:s12] =	ssyncset.done $0x0  }
0x139: {  	s20 =	rddreg [dreg:$0x10];
	[sflag:s12] =	ssyncadd.s32 $0xFFFFC000  }
0x13a: {  	[hbm4b:s20+s3] =	stream.linear.scatter [tilespmem:s7], [sflag:$0x7], $0x4000, $0x38;
	[tilespmem:$0x1FC00] =	vst v63  }
0x13b: {  	_ =	swait.ge [sflag:s13], $0x4000  }
0x13c: {  	[sflag:s13] =	ssyncset.done $0x0  }
0x13d: {  	s21 =	rddreg [dreg:$0x11];
	[sflag:s13] =	ssyncadd.s32 $0xFFFFC000  }
0x13e: {  	[hbm4b:s21+s3] =	stream.linear.scatter [tilespmem:s8], [sflag:$0x8], $0x4000, $0x38;
	[tilespmem:$0x1FC00] =	vst v63  }
0x13f: {  	_ =	swait.ge [sflag:s14], $0x4000  }
0x140: {  	[sflag:s14] =	ssyncset.done $0x0  }
0x141: {  	s22 =	rddreg [dreg:$0x12];
	[sflag:s14] =	ssyncadd.s32 $0xFFFFC000  }
0x142: {  	[hbm4b:s22+s3] =	stream.linear.scatter [tilespmem:s9], [sflag:$0x9], $0x4000, $0x38;
	[tilespmem:$0x1FC00] =	vst v63  }
0x143: {  	_ =	swait.ge [sflag:s15], $0x4000  }
0x144: {  	[sflag:s15] =	ssyncset.done $0x0  }
0x145: {  	s23 =	rddreg [dreg:$0x18];
	[sflag:s15] =	ssyncadd.s32 $0xFFFFC000  }
0x146: {  	[hbm4b:s23+s3] =	stream.linear.scatter [tilespmem:s10], [sflag:$0xA], $0x4000, $0x38;
	[tilespmem:$0x1FC00] =	vst v63  }
0x147: {  	_ =	swait.ge [sflag:s16], $0x4000  }
0x148: {  	[sflag:s16] =	ssyncset.done $0x0  }
0x149: {  	[sflag:s16] =	ssyncadd.s32 $0xFFFFC000  }
0x14a: {  	_ =	swait.ge [sflag:s5], $0x4000  }
0x14b: {  	[sflag:s5] =	ssyncset.done $0x0  }
0x14c: {  	[sflag:s5] =	ssyncadd.s32 $0xFFFFC000  }
0x14d: {  	_ =	swait.ge [sflag:s17], $0x4000  }
0x14e: {  	[sflag:s17] =	ssyncset.done $0x0  }
0x14f: {  	[sflag:s17] =	ssyncadd.s32 $0xFFFFC000  }
0x150: {  	_ =	swait.ge [sflag:s18], $0x4000  }
0x151: {  	[sflag:s18] =	ssyncset.done $0x0  }
0x152: {  	[sflag:s18] =	ssyncadd.s32 $0xFFFFC000  }
0x153: {  	_ =	swait.ge [sflag:s24], $0x4000  }
0x154: {  	[sflag:s24] =	ssyncset.done $0x0  }
0x155: {  	[sflag:s24] =	ssyncadd.s32 $0xFFFFC000  }
0x156: {  	_ =	swait.ge [sflag:s31], $0xA000  }
0x157: {  	[sflag:s31] =	ssyncset.done $0x0  }
0x158: {  	[sflag:s31] =	ssyncadd.s32 $0xFFFF6000  }
0x159: {  	_ =	swait.ge [sflag:s31], $0xA000  }
0x15a: {  	[sflag:s31] =	ssyncset.done $0x0  }
0x15b: {  	[sflag:s31] =	ssyncadd.s32 $0xFFFF6000  }
0x15c: {  	_ =	swait.ge [sflag:s31], $0xA000  }
0x15d: {  	[sflag:s31] =	ssyncset.done $0x0  }
0x15e: {  	[sflag:s31] =	ssyncadd.s32 $0xFFFF6000  }
0x15f: {  	_ =	swait.ge [sflag:s31], $0xA000  }
0x160: {  	[sflag:s31] =	ssyncset.done $0x0  }
0x161: {  	[sflag:s31] =	ssyncadd.s32 $0xFFFF6000  }
0x162: {  	_ =	swait.ge [sflag:s31], $0xA000  }
0x163: {  	[sflag:s31] =	ssyncset.done $0x0  }
0x164: {  	[sflag:s31] =	ssyncadd.s32 $0xFFFF6000  }
0x165: {  	_ =	swait.ge [sflag:s31], $0xA000  }
0x166: {  	[sflag:s31] =	ssyncset.done $0x0  }
0x167: {  	[sflag:s31] =	ssyncadd.s32 $0xFFFF6000  }
0x168: {  	_ =	swait.ge [sflag:s31], $0xA000  }
0x169: {  	[sflag:s31] =	ssyncset.done $0x0  }
0x16a: {  	[sflag:s31] =	ssyncadd.s32 $0xFFFF6000  }
0x16b: {  	_ =	swait.ge [sflag:s31], $0xA000  }
0x16c: {  	s25 =	sadd.s32 $0x1, s25;
	s30 =	rddreg [dreg:$0x19]  }
0x16d: {  	p0 =	sne.s32 s25, s30  }
.Ltmp17:
0x16e: {  	_ = 	snop;
	(pc) =	sbr.rel @p0 .LBB2_1-.Ltmp17, $3  }
0x16f: {  	_ =	sdelay $0x1  }
0x170: {  	[sflag:s31] =	ssyncset.done $0x0  }
0x171: {  	[sflag:s31] =	ssyncadd.s32 $0xFFFF6000  }
0x172: {  	_ =	sfence.sel $0x180000  }
0x173: {  	[bflag:$0x0] =	sbarrier.arrive $0xFFFF  }
0x174: {  	_ =	strace $0x90000047  }
0x175: {  	s0 =	stileid.u32;
	[bflag:$0x2] =	sbarrier.arrive $0xFFFF  }
0x176: {  	p0 =	sne.s32 s0, $0x0;
	s0 =	rddreg [dreg:$0x4]  }
0x177: {  	s0 =	sadd.s32 @!p0 $0x100000, s0  }
0x178: {  	[sflag:s0] =	ssyncadd.tile.s32 @!p0 $0x1;
	_ =	shalt  }
.Lfunc_end2:
_tile_overlayer_lowered:
.L_overlay_start_2:
0x179: {  	(tag) =	ssettag $0x2  }
0x17a: {  	s0 =	rddreg [dreg:$0x0];
	s2 =	stileid.u32  }
0x17b: {  	s1 =	rddreg [dreg:$0x1];
	p0 =	sne.s32 s2, $0x0  }
0x17c: {  	s3 =	rddreg [dreg:$0x2];
	[bflag:$0x3] =	sbarrier.arrive $0xFFFF;
	s2 =	simm.s32 @!p0 $0x1C0C  }
0x17d: {  	[timem:s3], [sflag:s2] =	dma.local @!p0 [hbm:s0], s1  }
0x17e: {  	s0 =	simm.s32 @!p0 $0xC  }
0x17f: {  	_ =	swait.ge @!p0 [sflag:s0], s1  }
0x180: {  	s1 =	ssub.s32 @!p0 $0x0, s1;
	[sflag:s0] =	ssyncset.done @!p0 $0x0  }
0x181: {  	[sflag:s0] =	ssyncadd.s32 @!p0 s1  }
0x182: {  	[bflag:$0x3] =	sbarrier.arrive $0xFFFF  }
0x183: {  	_ =	shalt  }

</sc_bundles>
